<compile_context>
chip_gen: v7x
topology: tpu7x:2x2x1
jax: 0.10.2.dev20260603
libtpu: 0.0.44.dev20260713+nightly
codegen_flags: <defaults>
</compile_context>

<pallas_src>
import functools

import jax
import jax.numpy as jnp
from jax import lax
from jax.experimental import pallas as pl
from jax.experimental.pallas import tpu as pltpu, tpu_sc as plsc

BATCH = 4096
HIST = 50
EMBED = 128

NUM_CORES = 2
NUM_SUBCORES = 16
NUM_WORKERS = NUM_CORES * NUM_SUBCORES

BPW = BATCH // NUM_WORKERS
CSPLIT = 1
CW = BPW // CSPLIT
NCHUNKS = HIST * CSPLIT
NBUF = 5
NLAPS = NCHUNKS // NBUF

_mesh = plsc.VectorSubcoreMesh(core_axis_name="c", subcore_axis_name="s")


@functools.partial(
    pl.kernel,
    mesh=_mesh,
    out_type=jax.ShapeDtypeStruct((HIST, BATCH, EMBED), jnp.float32),
    scratch_types=(
        [pltpu.VMEM((HIST, BPW), jnp.int32)]
        + [pltpu.VMEM((CW, EMBED), jnp.float32) for _ in range(NBUF)]
        + [pltpu.SemaphoreType.DMA for _ in range(2 * NBUF)]
    ),
)
def _gather_sc(idx_hbm, table_hbm, out_hbm, idx_v, *rest):
    rows = rest[:NBUF]
    gsem = rest[NBUF : 2 * NBUF]
    ssem = rest[2 * NBUF : 3 * NBUF]

    wid = lax.axis_index("s") * NUM_CORES + lax.axis_index("c")
    bbase = wid * BPW
    pltpu.sync_copy(idx_hbm.at[:, pl.ds(bbase, BPW)], idx_v)

    def gather_start(b, c):
        h = c // CSPLIT
        off = (c % CSPLIT) * CW
        pltpu.async_copy(table_hbm.at[idx_v.at[h, pl.ds(off, CW)]], rows[b], gsem[b])

    def gather_wait(b):
        pltpu.make_async_copy(
            table_hbm.at[idx_v.at[0, pl.ds(0, CW)]], rows[b], gsem[b]
        ).wait()

    def store_start(b, c):
        h = c // CSPLIT
        off = (c % CSPLIT) * CW
        pltpu.async_copy(rows[b], out_hbm.at[h, pl.ds(bbase + off, CW)], ssem[b])

    def store_wait(b):
        pltpu.make_async_copy(rows[b], out_hbm.at[0, pl.ds(bbase, CW)], ssem[b]).wait()

    for b in range(NBUF):
        gather_start(b, b)

    def lap(g, carry):
        for b in range(NBUF):
            c = g * NBUF + b
            gather_wait(b)
            store_start(b, c)
            store_wait(b)
            gather_start(b, c + NBUF)
        return carry

    lax.fori_loop(0, NLAPS - 1, lap, 0)

    for b in range(NBUF):
        gather_wait(b)
        store_start(b, NCHUNKS - NBUF + b)
    for b in range(NBUF):
        store_wait(b)


def kernel(indices, table):
    idx_t = indices.astype(jnp.int32).T
    out = _gather_sc(idx_t, table)
    return out.transpose(1, 0, 2)

# --- scband reference (transcript-rebuilt; emitter-appended) ---
"""Pipeline reference for scband-channel-embeddings-20272245637768 (READ-ONLY COPY).

The authoritative reference and input builder live on the scoring server;
editing this copy changes nothing except your own understanding.
"""

import jax, jax.numpy as jnp
import numpy as np

VOCAB = 100000
EMBED_DIM = 128
BATCH = 4096
HIST_LEN = 50

def setup_inputs(seed: int = 0) -> dict:
    key = jax.random.key(seed)
    k_idx, k_tab = jax.random.split(key)
    indices = jax.random.randint(k_idx, (BATCH, HIST_LEN), 0, VOCAB, dtype=jnp.int64 if jax.config.jax_enable_x64 else jnp.int32)
    table = jax.random.normal(k_tab, (VOCAB, EMBED_DIM), dtype=jnp.float32) * 0.02
    return {"indices": indices, "table": table}

def reference(indices, table):
    # nn.Embedding forward: row gather from the embedding table
    return jnp.take(table, indices, axis=0)

if __name__ == "__main__":
    import jax
    _d = setup_inputs()
    print(jax.jit(kernel)(*tuple(_d.values())))

</pallas_src>

<mosaic_0001>
#map = affine_map<(d0, d1) -> (0, 0)>
#map1 = affine_map<(d0, d1) -> (0, 0, 0)>
module attributes {stable_mosaic.version = 14 : i64} {
  func.func @_gather_sc(%arg0: i32, %arg1: i32, %arg2: memref<50x4096xi32, #tpu.memory_space<hbm>>, %arg3: memref<100000x128xf32, #tpu.memory_space<hbm>>, %arg4: memref<50x4096x128xf32, #tpu.memory_space<hbm>>, %arg5: memref<50x128xi32, #tpu.memory_space<vmem>>, %arg6: memref<128x128xf32, #tpu.memory_space<vmem>>, %arg7: memref<128x128xf32, #tpu.memory_space<vmem>>, %arg8: memref<128x128xf32, #tpu.memory_space<vmem>>, %arg9: memref<128x128xf32, #tpu.memory_space<vmem>>, %arg10: memref<128x128xf32, #tpu.memory_space<vmem>>, %arg11: memref<!tpu.dma_semaphore, #tpu.memory_space<semaphore_mem>>, %arg12: memref<!tpu.dma_semaphore, #tpu.memory_space<semaphore_mem>>, %arg13: memref<!tpu.dma_semaphore, #tpu.memory_space<semaphore_mem>>, %arg14: memref<!tpu.dma_semaphore, #tpu.memory_space<semaphore_mem>>, %arg15: memref<!tpu.dma_semaphore, #tpu.memory_space<semaphore_mem>>, %arg16: memref<!tpu.dma_semaphore, #tpu.memory_space<semaphore_mem>>, %arg17: memref<!tpu.dma_semaphore, #tpu.memory_space<semaphore_mem>>, %arg18: memref<!tpu.dma_semaphore, #tpu.memory_space<semaphore_mem>>, %arg19: memref<!tpu.dma_semaphore, #tpu.memory_space<semaphore_mem>>, %arg20: memref<!tpu.dma_semaphore, #tpu.memory_space<semaphore_mem>>) attributes {dimension_semantics = [#tpu.dimension_semantics<core_parallel>, #tpu.dimension_semantics<subcore_parallel>], iteration_bounds = array<i64: 2, 16>, scalar_prefetch = 0 : i64, scratch_operands = 16 : i64, tpu.core_type = #tpu.core_type<sc_vector_subcore>, window_params = [{transform_indices = #map}, {transform_indices = #map}, {transform_indices = #map1}]} {
    %mul3A = arith.constant 2 : i32
    %mul3A_0 = arith.muli %arg1, %mul3A : i32
    %add3A = arith.addi %mul3A_0, %arg0 : i32
    %mul3A_1 = arith.constant 128 : i32
    %mul3A_2 = arith.muli %add3A, %mul3A_1 : i32
    "tpu.region"() ({
      %run_scoped3A = tpu.sem_alloc : memref<!tpu.dma_semaphore, #tpu.memory_space<semaphore_mem>>
      %dma_start3A_156 = arith.constant 0 : i32
      %dma_start3A_157 = tpu.memref_slice %arg2[%dma_start3A_156, %mul3A_2] : memref<50x4096xi32, #tpu.memory_space<hbm>> -> memref<50x128xi32, #tpu.memory_space<hbm>>
      %dma_start3A_158 = arith.constant 0 : i32
      %dma_start3A_159 = tpu.memref_slice %arg2[%dma_start3A_158, %mul3A_2] : memref<50x4096xi32, #tpu.memory_space<hbm>> -> memref<50x128xi32, #tpu.memory_space<hbm>>
      tpu.enqueue_dma source(%dma_start3A_159 : memref<50x128xi32, #tpu.memory_space<hbm>>) target(%arg5 : memref<50x128xi32, #tpu.memory_space<vmem>>) target_semaphore(%run_scoped3A : memref<!tpu.dma_semaphore, #tpu.memory_space<semaphore_mem>>)
      %dma_wait3A_160 = arith.constant 0 : i32
      %dma_wait3A_161 = tpu.memref_slice %arg2[%dma_wait3A_160, %mul3A_2] : memref<50x4096xi32, #tpu.memory_space<hbm>> -> memref<50x128xi32, #tpu.memory_space<hbm>>
      %dma_wait3A_162 = arith.constant 0 : i32
      %dma_wait3A_163 = tpu.memref_slice %arg2[%dma_wait3A_162, %mul3A_2] : memref<50x4096xi32, #tpu.memory_space<hbm>> -> memref<50x128xi32, #tpu.memory_space<hbm>>
      tpu.wait_dma2 semaphore(%run_scoped3A : memref<!tpu.dma_semaphore, #tpu.memory_space<semaphore_mem>>) src(%dma_wait3A_163 : memref<50x128xi32, #tpu.memory_space<hbm>>) dst(%arg5 : memref<50x128xi32, #tpu.memory_space<vmem>>)
      tpu.yield
    }) : () -> ()
    %dma_start3A = arith.constant 0 : i32
    %dma_start3A_3 = arith.constant 0 : i32
    %dma_start3A_4 = tpu.memref_slice %arg5[%dma_start3A, %dma_start3A_3] : memref<50x128xi32, #tpu.memory_space<vmem>> -> memref<1x128xi32, #tpu.memory_space<vmem>>
    %dma_start3A_5 = tpu.memref_squeeze %dma_start3A_4 : memref<1x128xi32, #tpu.memory_space<vmem>> -> memref<128xi32, #tpu.memory_space<vmem>>
    %dma_start3A_6 = arith.constant 0 : i32
    %dma_start3A_7 = arith.constant 0 : i32
    %dma_start3A_8 = tpu.memref_slice %arg3[%dma_start3A_6, %dma_start3A_7] : memref<100000x128xf32, #tpu.memory_space<hbm>> -> memref<100000x128xf32, #tpu.memory_space<hbm>>
    tpu.enqueue_indirect_dma source(%dma_start3A_8 : memref<100000x128xf32, #tpu.memory_space<hbm>>) target(%arg6 : memref<128x128xf32, #tpu.memory_space<vmem>>) offsets(%dma_start3A_5 : memref<128xi32, #tpu.memory_space<vmem>>) semaphore(%arg11 : memref<!tpu.dma_semaphore, #tpu.memory_space<semaphore_mem>>)
    %dma_start3A_9 = arith.constant 1 : i32
    %dma_start3A_10 = arith.constant 0 : i32
    %dma_start3A_11 = tpu.memref_slice %arg5[%dma_start3A_9, %dma_start3A_10] : memref<50x128xi32, #tpu.memory_space<vmem>> -> memref<1x128xi32, #tpu.memory_space<vmem>>
    %dma_start3A_12 = tpu.memref_squeeze %dma_start3A_11 : memref<1x128xi32, #tpu.memory_space<vmem>> -> memref<128xi32, #tpu.memory_space<vmem>>
    %dma_start3A_13 = arith.constant 0 : i32
    %dma_start3A_14 = arith.constant 0 : i32
    %dma_start3A_15 = tpu.memref_slice %arg3[%dma_start3A_13, %dma_start3A_14] : memref<100000x128xf32, #tpu.memory_space<hbm>> -> memref<100000x128xf32, #tpu.memory_space<hbm>>
    tpu.enqueue_indirect_dma source(%dma_start3A_15 : memref<100000x128xf32, #tpu.memory_space<hbm>>) target(%arg7 : memref<128x128xf32, #tpu.memory_space<vmem>>) offsets(%dma_start3A_12 : memref<128xi32, #tpu.memory_space<vmem>>) semaphore(%arg12 : memref<!tpu.dma_semaphore, #tpu.memory_space<semaphore_mem>>)
    %dma_start3A_16 = arith.constant 2 : i32
    %dma_start3A_17 = arith.constant 0 : i32
    %dma_start3A_18 = tpu.memref_slice %arg5[%dma_start3A_16, %dma_start3A_17] : memref<50x128xi32, #tpu.memory_space<vmem>> -> memref<1x128xi32, #tpu.memory_space<vmem>>
    %dma_start3A_19 = tpu.memref_squeeze %dma_start3A_18 : memref<1x128xi32, #tpu.memory_space<vmem>> -> memref<128xi32, #tpu.memory_space<vmem>>
    %dma_start3A_20 = arith.constant 0 : i32
    %dma_start3A_21 = arith.constant 0 : i32
    %dma_start3A_22 = tpu.memref_slice %arg3[%dma_start3A_20, %dma_start3A_21] : memref<100000x128xf32, #tpu.memory_space<hbm>> -> memref<100000x128xf32, #tpu.memory_space<hbm>>
    tpu.enqueue_indirect_dma source(%dma_start3A_22 : memref<100000x128xf32, #tpu.memory_space<hbm>>) target(%arg8 : memref<128x128xf32, #tpu.memory_space<vmem>>) offsets(%dma_start3A_19 : memref<128xi32, #tpu.memory_space<vmem>>) semaphore(%arg13 : memref<!tpu.dma_semaphore, #tpu.memory_space<semaphore_mem>>)
    %dma_start3A_23 = arith.constant 3 : i32
    %dma_start3A_24 = arith.constant 0 : i32
    %dma_start3A_25 = tpu.memref_slice %arg5[%dma_start3A_23, %dma_start3A_24] : memref<50x128xi32, #tpu.memory_space<vmem>> -> memref<1x128xi32, #tpu.memory_space<vmem>>
    %dma_start3A_26 = tpu.memref_squeeze %dma_start3A_25 : memref<1x128xi32, #tpu.memory_space<vmem>> -> memref<128xi32, #tpu.memory_space<vmem>>
    %dma_start3A_27 = arith.constant 0 : i32
    %dma_start3A_28 = arith.constant 0 : i32
    %dma_start3A_29 = tpu.memref_slice %arg3[%dma_start3A_27, %dma_start3A_28] : memref<100000x128xf32, #tpu.memory_space<hbm>> -> memref<100000x128xf32, #tpu.memory_space<hbm>>
    tpu.enqueue_indirect_dma source(%dma_start3A_29 : memref<100000x128xf32, #tpu.memory_space<hbm>>) target(%arg9 : memref<128x128xf32, #tpu.memory_space<vmem>>) offsets(%dma_start3A_26 : memref<128xi32, #tpu.memory_space<vmem>>) semaphore(%arg14 : memref<!tpu.dma_semaphore, #tpu.memory_space<semaphore_mem>>)
    %dma_start3A_30 = arith.constant 4 : i32
    %dma_start3A_31 = arith.constant 0 : i32
    %dma_start3A_32 = tpu.memref_slice %arg5[%dma_start3A_30, %dma_start3A_31] : memref<50x128xi32, #tpu.memory_space<vmem>> -> memref<1x128xi32, #tpu.memory_space<vmem>>
    %dma_start3A_33 = tpu.memref_squeeze %dma_start3A_32 : memref<1x128xi32, #tpu.memory_space<vmem>> -> memref<128xi32, #tpu.memory_space<vmem>>
    %dma_start3A_34 = arith.constant 0 : i32
    %dma_start3A_35 = arith.constant 0 : i32
    %dma_start3A_36 = tpu.memref_slice %arg3[%dma_start3A_34, %dma_start3A_35] : memref<100000x128xf32, #tpu.memory_space<hbm>> -> memref<100000x128xf32, #tpu.memory_space<hbm>>
    tpu.enqueue_indirect_dma source(%dma_start3A_36 : memref<100000x128xf32, #tpu.memory_space<hbm>>) target(%arg10 : memref<128x128xf32, #tpu.memory_space<vmem>>) offsets(%dma_start3A_33 : memref<128xi32, #tpu.memory_space<vmem>>) semaphore(%arg15 : memref<!tpu.dma_semaphore, #tpu.memory_space<semaphore_mem>>)
    %scan3A = arith.constant 0 : i32
    %scan3A_37 = arith.constant 0 : i32
    %scan3A_38 = arith.constant 9 : i32
    %scan3A_39 = arith.addi %scan3A_37, %scan3A_38 : i32
    %scan3A_40 = arith.constant 1 : i32
    scf.for %scan3A_156 = %scan3A_37 to %scan3A_39 step %scan3A_40  : i32 {
      %mul3A_157 = arith.constant 5 : i32
      %mul3A_158 = arith.muli %scan3A_156, %mul3A_157 : i32
      %add3A_159 = arith.constant 0 : i32
      %add3A_160 = arith.addi %mul3A_158, %add3A_159 : i32
      %dma_wait3A_161 = arith.constant 0 : i32
      %dma_wait3A_162 = arith.constant 0 : i32
      %dma_wait3A_163 = tpu.memref_slice %arg5[%dma_wait3A_161, %dma_wait3A_162] : memref<50x128xi32, #tpu.memory_space<vmem>> -> memref<1x128xi32, #tpu.memory_space<vmem>>
      %dma_wait3A_164 = tpu.memref_squeeze %dma_wait3A_163 : memref<1x128xi32, #tpu.memory_space<vmem>> -> memref<128xi32, #tpu.memory_space<vmem>>
      %dma_wait3A_165 = arith.constant 0 : i32
      %dma_wait3A_166 = arith.constant 0 : i32
      %dma_wait3A_167 = tpu.memref_slice %arg3[%dma_wait3A_165, %dma_wait3A_166] : memref<100000x128xf32, #tpu.memory_space<hbm>> -> memref<100000x128xf32, #tpu.memory_space<hbm>>
      tpu.wait_indirect_dma semaphore(%arg11 : memref<!tpu.dma_semaphore, #tpu.memory_space<semaphore_mem>>) src(%dma_wait3A_167 : memref<100000x128xf32, #tpu.memory_space<hbm>>) dst(%arg6 : memref<128x128xf32, #tpu.memory_space<vmem>>)
      %jit3A = arith.constant 1 : i32
      %div3A = arith.divsi %add3A_160, %jit3A : i32
      %sign3A = arith.constant 0 : i32
      %sign3A_168 = arith.cmpi sgt, %add3A_160, %sign3A : i32
      %sign3A_169 = arith.extui %sign3A_168 : i1 to i32
      %sign3A_170 = arith.constant 0 : i32
      %sign3A_171 = arith.cmpi slt, %add3A_160, %sign3A_170 : i32
      %sign3A_172 = arith.extui %sign3A_171 : i1 to i32
      %sign3A_173 = arith.subi %sign3A_169, %sign3A_172 : i32
      %sign3A_174 = arith.constant 0 : i32
      %sign3A_175 = arith.cmpi sgt, %jit3A, %sign3A_174 : i32
      %sign3A_176 = arith.extui %sign3A_175 : i1 to i32
      %sign3A_177 = arith.constant 0 : i32
      %sign3A_178 = arith.cmpi slt, %jit3A, %sign3A_177 : i32
      %sign3A_179 = arith.extui %sign3A_178 : i1 to i32
      %sign3A_180 = arith.subi %sign3A_176, %sign3A_179 : i32
      %ne3A = arith.cmpi ne, %sign3A_173, %sign3A_180 : i32
      %rem3A = arith.remsi %add3A_160, %jit3A : i32
      %ne3A_181 = arith.constant 0 : i32
      %ne3A_182 = arith.cmpi ne, %rem3A, %ne3A_181 : i32
      %and3A = arith.andi %ne3A, %ne3A_182 : i1
      %sub3A = arith.constant 1 : i32
      %sub3A_183 = arith.subi %div3A, %sub3A : i32
      %select_n3A = arith.select %and3A, %sub3A_183, %div3A : i32
      %jit3A_184 = arith.constant 1 : i32
      %eq3A = arith.constant 0 : i32
      %eq3A_185 = arith.cmpi eq, %jit3A_184, %eq3A : i32
      %jit3A_186 = arith.constant 1 : i32
      %select_n3A_187 = arith.select %eq3A_185, %jit3A_186, %jit3A_184 : i32
      %rem3A_188 = arith.remsi %add3A_160, %select_n3A_187 : i32
      %ne3A_189 = arith.constant 0 : i32
      %ne3A_190 = arith.cmpi ne, %rem3A_188, %ne3A_189 : i32
      %lt3A = arith.constant 0 : i32
      %lt3A_191 = arith.cmpi slt, %rem3A_188, %lt3A : i32
      %lt3A_192 = arith.constant 0 : i32
      %lt3A_193 = arith.cmpi slt, %select_n3A_187, %lt3A_192 : i32
      %ne3A_194 = arith.xori %lt3A_191, %lt3A_193 : i1
      %and3A_195 = arith.andi %ne3A_194, %ne3A_190 : i1
      %add3A_196 = arith.addi %rem3A_188, %select_n3A_187 : i32
      %select_n3A_197 = arith.select %and3A_195, %add3A_196, %rem3A_188 : i32
      %mul3A_198 = arith.constant 128 : i32
      %mul3A_199 = arith.muli %select_n3A_197, %mul3A_198 : i32
      %add3A_200 = arith.addi %mul3A_2, %mul3A_199 : i32
      %dma_start3A_201 = arith.constant 0 : i32
      %dma_start3A_202 = tpu.memref_slice %arg4[%select_n3A, %add3A_200, %dma_start3A_201] : memref<50x4096x128xf32, #tpu.memory_space<hbm>> -> memref<1x128x128xf32, #tpu.memory_space<hbm>>
      %dma_start3A_203 = tpu.memref_squeeze %dma_start3A_202 : memref<1x128x128xf32, #tpu.memory_space<hbm>> -> memref<128x128xf32, #tpu.memory_space<hbm>>
      %dma_start3A_204 = arith.constant 0 : i32
      %dma_start3A_205 = tpu.memref_slice %arg4[%select_n3A, %add3A_200, %dma_start3A_204] : memref<50x4096x128xf32, #tpu.memory_space<hbm>> -> memref<1x128x128xf32, #tpu.memory_space<hbm>>
      %dma_start3A_206 = tpu.memref_squeeze %dma_start3A_205 : memref<1x128x128xf32, #tpu.memory_space<hbm>> -> memref<128x128xf32, #tpu.memory_space<hbm>>
      tpu.enqueue_dma source(%arg6 : memref<128x128xf32, #tpu.memory_space<vmem>>) target(%dma_start3A_206 : memref<128x128xf32, #tpu.memory_space<hbm>>) target_semaphore(%arg16 : memref<!tpu.dma_semaphore, #tpu.memory_space<semaphore_mem>>)
      %dma_wait3A_207 = arith.constant 0 : i32
      %dma_wait3A_208 = arith.constant 0 : i32
      %dma_wait3A_209 = tpu.memref_slice %arg4[%dma_wait3A_207, %mul3A_2, %dma_wait3A_208] : memref<50x4096x128xf32, #tpu.memory_space<hbm>> -> memref<1x128x128xf32, #tpu.memory_space<hbm>>
      %dma_wait3A_210 = tpu.memref_squeeze %dma_wait3A_209 : memref<1x128x128xf32, #tpu.memory_space<hbm>> -> memref<128x128xf32, #tpu.memory_space<hbm>>
      %dma_wait3A_211 = arith.constant 0 : i32
      %dma_wait3A_212 = tpu.memref_slice %arg4[%dma_wait3A_207, %mul3A_2, %dma_wait3A_211] : memref<50x4096x128xf32, #tpu.memory_space<hbm>> -> memref<1x128x128xf32, #tpu.memory_space<hbm>>
      %dma_wait3A_213 = tpu.memref_squeeze %dma_wait3A_212 : memref<1x128x128xf32, #tpu.memory_space<hbm>> -> memref<128x128xf32, #tpu.memory_space<hbm>>
      tpu.wait_dma2 semaphore(%arg16 : memref<!tpu.dma_semaphore, #tpu.memory_space<semaphore_mem>>) src(%arg6 : memref<128x128xf32, #tpu.memory_space<vmem>>) dst(%dma_wait3A_213 : memref<128x128xf32, #tpu.memory_space<hbm>>)
      %add3A_214 = arith.constant 5 : i32
      %add3A_215 = arith.addi %add3A_160, %add3A_214 : i32
      %jit3A_216 = arith.constant 1 : i32
      %div3A_217 = arith.divsi %add3A_215, %jit3A_216 : i32
      %sign3A_218 = arith.constant 0 : i32
      %sign3A_219 = arith.cmpi sgt, %add3A_215, %sign3A_218 : i32
      %sign3A_220 = arith.extui %sign3A_219 : i1 to i32
      %sign3A_221 = arith.constant 0 : i32
      %sign3A_222 = arith.cmpi slt, %add3A_215, %sign3A_221 : i32
      %sign3A_223 = arith.extui %sign3A_222 : i1 to i32
      %sign3A_224 = arith.subi %sign3A_220, %sign3A_223 : i32
      %sign3A_225 = arith.constant 0 : i32
      %sign3A_226 = arith.cmpi sgt, %jit3A_216, %sign3A_225 : i32
      %sign3A_227 = arith.extui %sign3A_226 : i1 to i32
      %sign3A_228 = arith.constant 0 : i32
      %sign3A_229 = arith.cmpi slt, %jit3A_216, %sign3A_228 : i32
      %sign3A_230 = arith.extui %sign3A_229 : i1 to i32
      %sign3A_231 = arith.subi %sign3A_227, %sign3A_230 : i32
      %ne3A_232 = arith.cmpi ne, %sign3A_224, %sign3A_231 : i32
      %rem3A_233 = arith.remsi %add3A_215, %jit3A_216 : i32
      %ne3A_234 = arith.constant 0 : i32
      %ne3A_235 = arith.cmpi ne, %rem3A_233, %ne3A_234 : i32
      %and3A_236 = arith.andi %ne3A_232, %ne3A_235 : i1
      %sub3A_237 = arith.constant 1 : i32
      %sub3A_238 = arith.subi %div3A_217, %sub3A_237 : i32
      %select_n3A_239 = arith.select %and3A_236, %sub3A_238, %div3A_217 : i32
      %jit3A_240 = arith.constant 1 : i32
      %eq3A_241 = arith.constant 0 : i32
      %eq3A_242 = arith.cmpi eq, %jit3A_240, %eq3A_241 : i32
      %jit3A_243 = arith.constant 1 : i32
      %select_n3A_244 = arith.select %eq3A_242, %jit3A_243, %jit3A_240 : i32
      %rem3A_245 = arith.remsi %add3A_215, %select_n3A_244 : i32
      %ne3A_246 = arith.constant 0 : i32
      %ne3A_247 = arith.cmpi ne, %rem3A_245, %ne3A_246 : i32
      %lt3A_248 = arith.constant 0 : i32
      %lt3A_249 = arith.cmpi slt, %rem3A_245, %lt3A_248 : i32
      %lt3A_250 = arith.constant 0 : i32
      %lt3A_251 = arith.cmpi slt, %select_n3A_244, %lt3A_250 : i32
      %ne3A_252 = arith.xori %lt3A_249, %lt3A_251 : i1
      %and3A_253 = arith.andi %ne3A_252, %ne3A_247 : i1
      %add3A_254 = arith.addi %rem3A_245, %select_n3A_244 : i32
      %select_n3A_255 = arith.select %and3A_253, %add3A_254, %rem3A_245 : i32
      %mul3A_256 = arith.constant 128 : i32
      %mul3A_257 = arith.muli %select_n3A_255, %mul3A_256 : i32
      %dma_start3A_258 = tpu.memref_slice %arg5[%select_n3A_239, %mul3A_257] : memref<50x128xi32, #tpu.memory_space<vmem>> -> memref<1x128xi32, #tpu.memory_space<vmem>>
      %dma_start3A_259 = tpu.memref_squeeze %dma_start3A_258 : memref<1x128xi32, #tpu.memory_space<vmem>> -> memref<128xi32, #tpu.memory_space<vmem>>
      %dma_start3A_260 = arith.constant 0 : i32
      %dma_start3A_261 = arith.constant 0 : i32
      %dma_start3A_262 = tpu.memref_slice %arg3[%dma_start3A_260, %dma_start3A_261] : memref<100000x128xf32, #tpu.memory_space<hbm>> -> memref<100000x128xf32, #tpu.memory_space<hbm>>
      tpu.enqueue_indirect_dma source(%dma_start3A_262 : memref<100000x128xf32, #tpu.memory_space<hbm>>) target(%arg6 : memref<128x128xf32, #tpu.memory_space<vmem>>) offsets(%dma_start3A_259 : memref<128xi32, #tpu.memory_space<vmem>>) semaphore(%arg11 : memref<!tpu.dma_semaphore, #tpu.memory_space<semaphore_mem>>)
      %mul3A_263 = arith.constant 5 : i32
      %mul3A_264 = arith.muli %scan3A_156, %mul3A_263 : i32
      %add3A_265 = arith.constant 1 : i32
      %add3A_266 = arith.addi %mul3A_264, %add3A_265 : i32
      %dma_wait3A_267 = arith.constant 0 : i32
      %dma_wait3A_268 = arith.constant 0 : i32
      %dma_wait3A_269 = tpu.memref_slice %arg5[%dma_wait3A_267, %dma_wait3A_268] : memref<50x128xi32, #tpu.memory_space<vmem>> -> memref<1x128xi32, #tpu.memory_space<vmem>>
      %dma_wait3A_270 = tpu.memref_squeeze %dma_wait3A_269 : memref<1x128xi32, #tpu.memory_space<vmem>> -> memref<128xi32, #tpu.memory_space<vmem>>
      %dma_wait3A_271 = arith.constant 0 : i32
      %dma_wait3A_272 = arith.constant 0 : i32
      %dma_wait3A_273 = tpu.memref_slice %arg3[%dma_wait3A_271, %dma_wait3A_272] : memref<100000x128xf32, #tpu.memory_space<hbm>> -> memref<100000x128xf32, #tpu.memory_space<hbm>>
      tpu.wait_indirect_dma semaphore(%arg12 : memref<!tpu.dma_semaphore, #tpu.memory_space<semaphore_mem>>) src(%dma_wait3A_273 : memref<100000x128xf32, #tpu.memory_space<hbm>>) dst(%arg7 : memref<128x128xf32, #tpu.memory_space<vmem>>)
      %jit3A_274 = arith.constant 1 : i32
      %div3A_275 = arith.divsi %add3A_266, %jit3A_274 : i32
      %sign3A_276 = arith.constant 0 : i32
      %sign3A_277 = arith.cmpi sgt, %add3A_266, %sign3A_276 : i32
      %sign3A_278 = arith.extui %sign3A_277 : i1 to i32
      %sign3A_279 = arith.constant 0 : i32
      %sign3A_280 = arith.cmpi slt, %add3A_266, %sign3A_279 : i32
      %sign3A_281 = arith.extui %sign3A_280 : i1 to i32
      %sign3A_282 = arith.subi %sign3A_278, %sign3A_281 : i32
      %sign3A_283 = arith.constant 0 : i32
      %sign3A_284 = arith.cmpi sgt, %jit3A_274, %sign3A_283 : i32
      %sign3A_285 = arith.extui %sign3A_284 : i1 to i32
      %sign3A_286 = arith.constant 0 : i32
      %sign3A_287 = arith.cmpi slt, %jit3A_274, %sign3A_286 : i32
      %sign3A_288 = arith.extui %sign3A_287 : i1 to i32
      %sign3A_289 = arith.subi %sign3A_285, %sign3A_288 : i32
      %ne3A_290 = arith.cmpi ne, %sign3A_282, %sign3A_289 : i32
      %rem3A_291 = arith.remsi %add3A_266, %jit3A_274 : i32
      %ne3A_292 = arith.constant 0 : i32
      %ne3A_293 = arith.cmpi ne, %rem3A_291, %ne3A_292 : i32
      %and3A_294 = arith.andi %ne3A_290, %ne3A_293 : i1
      %sub3A_295 = arith.constant 1 : i32
      %sub3A_296 = arith.subi %div3A_275, %sub3A_295 : i32
      %select_n3A_297 = arith.select %and3A_294, %sub3A_296, %div3A_275 : i32
      %jit3A_298 = arith.constant 1 : i32
      %eq3A_299 = arith.constant 0 : i32
      %eq3A_300 = arith.cmpi eq, %jit3A_298, %eq3A_299 : i32
      %jit3A_301 = arith.constant 1 : i32
      %select_n3A_302 = arith.select %eq3A_300, %jit3A_301, %jit3A_298 : i32
      %rem3A_303 = arith.remsi %add3A_266, %select_n3A_302 : i32
      %ne3A_304 = arith.constant 0 : i32
      %ne3A_305 = arith.cmpi ne, %rem3A_303, %ne3A_304 : i32
      %lt3A_306 = arith.constant 0 : i32
      %lt3A_307 = arith.cmpi slt, %rem3A_303, %lt3A_306 : i32
      %lt3A_308 = arith.constant 0 : i32
      %lt3A_309 = arith.cmpi slt, %select_n3A_302, %lt3A_308 : i32
      %ne3A_310 = arith.xori %lt3A_307, %lt3A_309 : i1
      %and3A_311 = arith.andi %ne3A_310, %ne3A_305 : i1
      %add3A_312 = arith.addi %rem3A_303, %select_n3A_302 : i32
      %select_n3A_313 = arith.select %and3A_311, %add3A_312, %rem3A_303 : i32
      %mul3A_314 = arith.constant 128 : i32
      %mul3A_315 = arith.muli %select_n3A_313, %mul3A_314 : i32
      %add3A_316 = arith.addi %mul3A_2, %mul3A_315 : i32
      %dma_start3A_317 = arith.constant 0 : i32
      %dma_start3A_318 = tpu.memref_slice %arg4[%select_n3A_297, %add3A_316, %dma_start3A_317] : memref<50x4096x128xf32, #tpu.memory_space<hbm>> -> memref<1x128x128xf32, #tpu.memory_space<hbm>>
      %dma_start3A_319 = tpu.memref_squeeze %dma_start3A_318 : memref<1x128x128xf32, #tpu.memory_space<hbm>> -> memref<128x128xf32, #tpu.memory_space<hbm>>
      %dma_start3A_320 = arith.constant 0 : i32
      %dma_start3A_321 = tpu.memref_slice %arg4[%select_n3A_297, %add3A_316, %dma_start3A_320] : memref<50x4096x128xf32, #tpu.memory_space<hbm>> -> memref<1x128x128xf32, #tpu.memory_space<hbm>>
      %dma_start3A_322 = tpu.memref_squeeze %dma_start3A_321 : memref<1x128x128xf32, #tpu.memory_space<hbm>> -> memref<128x128xf32, #tpu.memory_space<hbm>>
      tpu.enqueue_dma source(%arg7 : memref<128x128xf32, #tpu.memory_space<vmem>>) target(%dma_start3A_322 : memref<128x128xf32, #tpu.memory_space<hbm>>) target_semaphore(%arg17 : memref<!tpu.dma_semaphore, #tpu.memory_space<semaphore_mem>>)
      %dma_wait3A_323 = arith.constant 0 : i32
      %dma_wait3A_324 = arith.constant 0 : i32
      %dma_wait3A_325 = tpu.memref_slice %arg4[%dma_wait3A_323, %mul3A_2, %dma_wait3A_324] : memref<50x4096x128xf32, #tpu.memory_space<hbm>> -> memref<1x128x128xf32, #tpu.memory_space<hbm>>
      %dma_wait3A_326 = tpu.memref_squeeze %dma_wait3A_325 : memref<1x128x128xf32, #tpu.memory_space<hbm>> -> memref<128x128xf32, #tpu.memory_space<hbm>>
      %dma_wait3A_327 = arith.constant 0 : i32
      %dma_wait3A_328 = tpu.memref_slice %arg4[%dma_wait3A_323, %mul3A_2, %dma_wait3A_327] : memref<50x4096x128xf32, #tpu.memory_space<hbm>> -> memref<1x128x128xf32, #tpu.memory_space<hbm>>
      %dma_wait3A_329 = tpu.memref_squeeze %dma_wait3A_328 : memref<1x128x128xf32, #tpu.memory_space<hbm>> -> memref<128x128xf32, #tpu.memory_space<hbm>>
      tpu.wait_dma2 semaphore(%arg17 : memref<!tpu.dma_semaphore, #tpu.memory_space<semaphore_mem>>) src(%arg7 : memref<128x128xf32, #tpu.memory_space<vmem>>) dst(%dma_wait3A_329 : memref<128x128xf32, #tpu.memory_space<hbm>>)
      %add3A_330 = arith.constant 5 : i32
      %add3A_331 = arith.addi %add3A_266, %add3A_330 : i32
      %jit3A_332 = arith.constant 1 : i32
      %div3A_333 = arith.divsi %add3A_331, %jit3A_332 : i32
      %sign3A_334 = arith.constant 0 : i32
      %sign3A_335 = arith.cmpi sgt, %add3A_331, %sign3A_334 : i32
      %sign3A_336 = arith.extui %sign3A_335 : i1 to i32
      %sign3A_337 = arith.constant 0 : i32
      %sign3A_338 = arith.cmpi slt, %add3A_331, %sign3A_337 : i32
      %sign3A_339 = arith.extui %sign3A_338 : i1 to i32
      %sign3A_340 = arith.subi %sign3A_336, %sign3A_339 : i32
      %sign3A_341 = arith.constant 0 : i32
      %sign3A_342 = arith.cmpi sgt, %jit3A_332, %sign3A_341 : i32
      %sign3A_343 = arith.extui %sign3A_342 : i1 to i32
      %sign3A_344 = arith.constant 0 : i32
      %sign3A_345 = arith.cmpi slt, %jit3A_332, %sign3A_344 : i32
      %sign3A_346 = arith.extui %sign3A_345 : i1 to i32
      %sign3A_347 = arith.subi %sign3A_343, %sign3A_346 : i32
      %ne3A_348 = arith.cmpi ne, %sign3A_340, %sign3A_347 : i32
      %rem3A_349 = arith.remsi %add3A_331, %jit3A_332 : i32
      %ne3A_350 = arith.constant 0 : i32
      %ne3A_351 = arith.cmpi ne, %rem3A_349, %ne3A_350 : i32
      %and3A_352 = arith.andi %ne3A_348, %ne3A_351 : i1
      %sub3A_353 = arith.constant 1 : i32
      %sub3A_354 = arith.subi %div3A_333, %sub3A_353 : i32
      %select_n3A_355 = arith.select %and3A_352, %sub3A_354, %div3A_333 : i32
      %jit3A_356 = arith.constant 1 : i32
      %eq3A_357 = arith.constant 0 : i32
      %eq3A_358 = arith.cmpi eq, %jit3A_356, %eq3A_357 : i32
      %jit3A_359 = arith.constant 1 : i32
      %select_n3A_360 = arith.select %eq3A_358, %jit3A_359, %jit3A_356 : i32
      %rem3A_361 = arith.remsi %add3A_331, %select_n3A_360 : i32
      %ne3A_362 = arith.constant 0 : i32
      %ne3A_363 = arith.cmpi ne, %rem3A_361, %ne3A_362 : i32
      %lt3A_364 = arith.constant 0 : i32
      %lt3A_365 = arith.cmpi slt, %rem3A_361, %lt3A_364 : i32
      %lt3A_366 = arith.constant 0 : i32
      %lt3A_367 = arith.cmpi slt, %select_n3A_360, %lt3A_366 : i32
      %ne3A_368 = arith.xori %lt3A_365, %lt3A_367 : i1
      %and3A_369 = arith.andi %ne3A_368, %ne3A_363 : i1
      %add3A_370 = arith.addi %rem3A_361, %select_n3A_360 : i32
      %select_n3A_371 = arith.select %and3A_369, %add3A_370, %rem3A_361 : i32
      %mul3A_372 = arith.constant 128 : i32
      %mul3A_373 = arith.muli %select_n3A_371, %mul3A_372 : i32
      %dma_start3A_374 = tpu.memref_slice %arg5[%select_n3A_355, %mul3A_373] : memref<50x128xi32, #tpu.memory_space<vmem>> -> memref<1x128xi32, #tpu.memory_space<vmem>>
      %dma_start3A_375 = tpu.memref_squeeze %dma_start3A_374 : memref<1x128xi32, #tpu.memory_space<vmem>> -> memref<128xi32, #tpu.memory_space<vmem>>
      %dma_start3A_376 = arith.constant 0 : i32
      %dma_start3A_377 = arith.constant 0 : i32
      %dma_start3A_378 = tpu.memref_slice %arg3[%dma_start3A_376, %dma_start3A_377] : memref<100000x128xf32, #tpu.memory_space<hbm>> -> memref<100000x128xf32, #tpu.memory_space<hbm>>
      tpu.enqueue_indirect_dma source(%dma_start3A_378 : memref<100000x128xf32, #tpu.memory_space<hbm>>) target(%arg7 : memref<128x128xf32, #tpu.memory_space<vmem>>) offsets(%dma_start3A_375 : memref<128xi32, #tpu.memory_space<vmem>>) semaphore(%arg12 : memref<!tpu.dma_semaphore, #tpu.memory_space<semaphore_mem>>)
      %mul3A_379 = arith.constant 5 : i32
      %mul3A_380 = arith.muli %scan3A_156, %mul3A_379 : i32
      %add3A_381 = arith.constant 2 : i32
      %add3A_382 = arith.addi %mul3A_380, %add3A_381 : i32
      %dma_wait3A_383 = arith.constant 0 : i32
      %dma_wait3A_384 = arith.constant 0 : i32
      %dma_wait3A_385 = tpu.memref_slice %arg5[%dma_wait3A_383, %dma_wait3A_384] : memref<50x128xi32, #tpu.memory_space<vmem>> -> memref<1x128xi32, #tpu.memory_space<vmem>>
      %dma_wait3A_386 = tpu.memref_squeeze %dma_wait3A_385 : memref<1x128xi32, #tpu.memory_space<vmem>> -> memref<128xi32, #tpu.memory_space<vmem>>
      %dma_wait3A_387 = arith.constant 0 : i32
      %dma_wait3A_388 = arith.constant 0 : i32
      %dma_wait3A_389 = tpu.memref_slice %arg3[%dma_wait3A_387, %dma_wait3A_388] : memref<100000x128xf32, #tpu.memory_space<hbm>> -> memref<100000x128xf32, #tpu.memory_space<hbm>>
      tpu.wait_indirect_dma semaphore(%arg13 : memref<!tpu.dma_semaphore, #tpu.memory_space<semaphore_mem>>) src(%dma_wait3A_389 : memref<100000x128xf32, #tpu.memory_space<hbm>>) dst(%arg8 : memref<128x128xf32, #tpu.memory_space<vmem>>)
      %jit3A_390 = arith.constant 1 : i32
      %div3A_391 = arith.divsi %add3A_382, %jit3A_390 : i32
      %sign3A_392 = arith.constant 0 : i32
      %sign3A_393 = arith.cmpi sgt, %add3A_382, %sign3A_392 : i32
      %sign3A_394 = arith.extui %sign3A_393 : i1 to i32
      %sign3A_395 = arith.constant 0 : i32
      %sign3A_396 = arith.cmpi slt, %add3A_382, %sign3A_395 : i32
      %sign3A_397 = arith.extui %sign3A_396 : i1 to i32
      %sign3A_398 = arith.subi %sign3A_394, %sign3A_397 : i32
      %sign3A_399 = arith.constant 0 : i32
      %sign3A_400 = arith.cmpi sgt, %jit3A_390, %sign3A_399 : i32
      %sign3A_401 = arith.extui %sign3A_400 : i1 to i32
      %sign3A_402 = arith.constant 0 : i32
      %sign3A_403 = arith.cmpi slt, %jit3A_390, %sign3A_402 : i32
      %sign3A_404 = arith.extui %sign3A_403 : i1 to i32
      %sign3A_405 = arith.subi %sign3A_401, %sign3A_404 : i32
      %ne3A_406 = arith.cmpi ne, %sign3A_398, %sign3A_405 : i32
      %rem3A_407 = arith.remsi %add3A_382, %jit3A_390 : i32
      %ne3A_408 = arith.constant 0 : i32
      %ne3A_409 = arith.cmpi ne, %rem3A_407, %ne3A_408 : i32
      %and3A_410 = arith.andi %ne3A_406, %ne3A_409 : i1
      %sub3A_411 = arith.constant 1 : i32
      %sub3A_412 = arith.subi %div3A_391, %sub3A_411 : i32
      %select_n3A_413 = arith.select %and3A_410, %sub3A_412, %div3A_391 : i32
      %jit3A_414 = arith.constant 1 : i32
      %eq3A_415 = arith.constant 0 : i32
      %eq3A_416 = arith.cmpi eq, %jit3A_414, %eq3A_415 : i32
      %jit3A_417 = arith.constant 1 : i32
      %select_n3A_418 = arith.select %eq3A_416, %jit3A_417, %jit3A_414 : i32
      %rem3A_419 = arith.remsi %add3A_382, %select_n3A_418 : i32
      %ne3A_420 = arith.constant 0 : i32
      %ne3A_421 = arith.cmpi ne, %rem3A_419, %ne3A_420 : i32
      %lt3A_422 = arith.constant 0 : i32
      %lt3A_423 = arith.cmpi slt, %rem3A_419, %lt3A_422 : i32
      %lt3A_424 = arith.constant 0 : i32
      %lt3A_425 = arith.cmpi slt, %select_n3A_418, %lt3A_424 : i32
      %ne3A_426 = arith.xori %lt3A_423, %lt3A_425 : i1
      %and3A_427 = arith.andi %ne3A_426, %ne3A_421 : i1
      %add3A_428 = arith.addi %rem3A_419, %select_n3A_418 : i32
      %select_n3A_429 = arith.select %and3A_427, %add3A_428, %rem3A_419 : i32
      %mul3A_430 = arith.constant 128 : i32
      %mul3A_431 = arith.muli %select_n3A_429, %mul3A_430 : i32
      %add3A_432 = arith.addi %mul3A_2, %mul3A_431 : i32
      %dma_start3A_433 = arith.constant 0 : i32
      %dma_start3A_434 = tpu.memref_slice %arg4[%select_n3A_413, %add3A_432, %dma_start3A_433] : memref<50x4096x128xf32, #tpu.memory_space<hbm>> -> memref<1x128x128xf32, #tpu.memory_space<hbm>>
      %dma_start3A_435 = tpu.memref_squeeze %dma_start3A_434 : memref<1x128x128xf32, #tpu.memory_space<hbm>> -> memref<128x128xf32, #tpu.memory_space<hbm>>
      %dma_start3A_436 = arith.constant 0 : i32
      %dma_start3A_437 = tpu.memref_slice %arg4[%select_n3A_413, %add3A_432, %dma_start3A_436] : memref<50x4096x128xf32, #tpu.memory_space<hbm>> -> memref<1x128x128xf32, #tpu.memory_space<hbm>>
      %dma_start3A_438 = tpu.memref_squeeze %dma_start3A_437 : memref<1x128x128xf32, #tpu.memory_space<hbm>> -> memref<128x128xf32, #tpu.memory_space<hbm>>
      tpu.enqueue_dma source(%arg8 : memref<128x128xf32, #tpu.memory_space<vmem>>) target(%dma_start3A_438 : memref<128x128xf32, #tpu.memory_space<hbm>>) target_semaphore(%arg18 : memref<!tpu.dma_semaphore, #tpu.memory_space<semaphore_mem>>)
      %dma_wait3A_439 = arith.constant 0 : i32
      %dma_wait3A_440 = arith.constant 0 : i32
      %dma_wait3A_441 = tpu.memref_slice %arg4[%dma_wait3A_439, %mul3A_2, %dma_wait3A_440] : memref<50x4096x128xf32, #tpu.memory_space<hbm>> -> memref<1x128x128xf32, #tpu.memory_space<hbm>>
      %dma_wait3A_442 = tpu.memref_squeeze %dma_wait3A_441 : memref<1x128x128xf32, #tpu.memory_space<hbm>> -> memref<128x128xf32, #tpu.memory_space<hbm>>
      %dma_wait3A_443 = arith.constant 0 : i32
      %dma_wait3A_444 = tpu.memref_slice %arg4[%dma_wait3A_439, %mul3A_2, %dma_wait3A_443] : memref<50x4096x128xf32, #tpu.memory_space<hbm>> -> memref<1x128x128xf32, #tpu.memory_space<hbm>>
      %dma_wait3A_445 = tpu.memref_squeeze %dma_wait3A_444 : memref<1x128x128xf32, #tpu.memory_space<hbm>> -> memref<128x128xf32, #tpu.memory_space<hbm>>
      tpu.wait_dma2 semaphore(%arg18 : memref<!tpu.dma_semaphore, #tpu.memory_space<semaphore_mem>>) src(%arg8 : memref<128x128xf32, #tpu.memory_space<vmem>>) dst(%dma_wait3A_445 : memref<128x128xf32, #tpu.memory_space<hbm>>)
      %add3A_446 = arith.constant 5 : i32
      %add3A_447 = arith.addi %add3A_382, %add3A_446 : i32
      %jit3A_448 = arith.constant 1 : i32
      %div3A_449 = arith.divsi %add3A_447, %jit3A_448 : i32
      %sign3A_450 = arith.constant 0 : i32
      %sign3A_451 = arith.cmpi sgt, %add3A_447, %sign3A_450 : i32
      %sign3A_452 = arith.extui %sign3A_451 : i1 to i32
      %sign3A_453 = arith.constant 0 : i32
      %sign3A_454 = arith.cmpi slt, %add3A_447, %sign3A_453 : i32
      %sign3A_455 = arith.extui %sign3A_454 : i1 to i32
      %sign3A_456 = arith.subi %sign3A_452, %sign3A_455 : i32
      %sign3A_457 = arith.constant 0 : i32
      %sign3A_458 = arith.cmpi sgt, %jit3A_448, %sign3A_457 : i32
      %sign3A_459 = arith.extui %sign3A_458 : i1 to i32
      %sign3A_460 = arith.constant 0 : i32
      %sign3A_461 = arith.cmpi slt, %jit3A_448, %sign3A_460 : i32
      %sign3A_462 = arith.extui %sign3A_461 : i1 to i32
      %sign3A_463 = arith.subi %sign3A_459, %sign3A_462 : i32
      %ne3A_464 = arith.cmpi ne, %sign3A_456, %sign3A_463 : i32
      %rem3A_465 = arith.remsi %add3A_447, %jit3A_448 : i32
      %ne3A_466 = arith.constant 0 : i32
      %ne3A_467 = arith.cmpi ne, %rem3A_465, %ne3A_466 : i32
      %and3A_468 = arith.andi %ne3A_464, %ne3A_467 : i1
      %sub3A_469 = arith.constant 1 : i32
      %sub3A_470 = arith.subi %div3A_449, %sub3A_469 : i32
      %select_n3A_471 = arith.select %and3A_468, %sub3A_470, %div3A_449 : i32
      %jit3A_472 = arith.constant 1 : i32
      %eq3A_473 = arith.constant 0 : i32
      %eq3A_474 = arith.cmpi eq, %jit3A_472, %eq3A_473 : i32
      %jit3A_475 = arith.constant 1 : i32
      %select_n3A_476 = arith.select %eq3A_474, %jit3A_475, %jit3A_472 : i32
      %rem3A_477 = arith.remsi %add3A_447, %select_n3A_476 : i32
      %ne3A_478 = arith.constant 0 : i32
      %ne3A_479 = arith.cmpi ne, %rem3A_477, %ne3A_478 : i32
      %lt3A_480 = arith.constant 0 : i32
      %lt3A_481 = arith.cmpi slt, %rem3A_477, %lt3A_480 : i32
      %lt3A_482 = arith.constant 0 : i32
      %lt3A_483 = arith.cmpi slt, %select_n3A_476, %lt3A_482 : i32
      %ne3A_484 = arith.xori %lt3A_481, %lt3A_483 : i1
      %and3A_485 = arith.andi %ne3A_484, %ne3A_479 : i1
      %add3A_486 = arith.addi %rem3A_477, %select_n3A_476 : i32
      %select_n3A_487 = arith.select %and3A_485, %add3A_486, %rem3A_477 : i32
      %mul3A_488 = arith.constant 128 : i32
      %mul3A_489 = arith.muli %select_n3A_487, %mul3A_488 : i32
      %dma_start3A_490 = tpu.memref_slice %arg5[%select_n3A_471, %mul3A_489] : memref<50x128xi32, #tpu.memory_space<vmem>> -> memref<1x128xi32, #tpu.memory_space<vmem>>
      %dma_start3A_491 = tpu.memref_squeeze %dma_start3A_490 : memref<1x128xi32, #tpu.memory_space<vmem>> -> memref<128xi32, #tpu.memory_space<vmem>>
      %dma_start3A_492 = arith.constant 0 : i32
      %dma_start3A_493 = arith.constant 0 : i32
      %dma_start3A_494 = tpu.memref_slice %arg3[%dma_start3A_492, %dma_start3A_493] : memref<100000x128xf32, #tpu.memory_space<hbm>> -> memref<100000x128xf32, #tpu.memory_space<hbm>>
      tpu.enqueue_indirect_dma source(%dma_start3A_494 : memref<100000x128xf32, #tpu.memory_space<hbm>>) target(%arg8 : memref<128x128xf32, #tpu.memory_space<vmem>>) offsets(%dma_start3A_491 : memref<128xi32, #tpu.memory_space<vmem>>) semaphore(%arg13 : memref<!tpu.dma_semaphore, #tpu.memory_space<semaphore_mem>>)
      %mul3A_495 = arith.constant 5 : i32
      %mul3A_496 = arith.muli %scan3A_156, %mul3A_495 : i32
      %add3A_497 = arith.constant 3 : i32
      %add3A_498 = arith.addi %mul3A_496, %add3A_497 : i32
      %dma_wait3A_499 = arith.constant 0 : i32
      %dma_wait3A_500 = arith.constant 0 : i32
      %dma_wait3A_501 = tpu.memref_slice %arg5[%dma_wait3A_499, %dma_wait3A_500] : memref<50x128xi32, #tpu.memory_space<vmem>> -> memref<1x128xi32, #tpu.memory_space<vmem>>
      %dma_wait3A_502 = tpu.memref_squeeze %dma_wait3A_501 : memref<1x128xi32, #tpu.memory_space<vmem>> -> memref<128xi32, #tpu.memory_space<vmem>>
      %dma_wait3A_503 = arith.constant 0 : i32
      %dma_wait3A_504 = arith.constant 0 : i32
      %dma_wait3A_505 = tpu.memref_slice %arg3[%dma_wait3A_503, %dma_wait3A_504] : memref<100000x128xf32, #tpu.memory_space<hbm>> -> memref<100000x128xf32, #tpu.memory_space<hbm>>
      tpu.wait_indirect_dma semaphore(%arg14 : memref<!tpu.dma_semaphore, #tpu.memory_space<semaphore_mem>>) src(%dma_wait3A_505 : memref<100000x128xf32, #tpu.memory_space<hbm>>) dst(%arg9 : memref<128x128xf32, #tpu.memory_space<vmem>>)
      %jit3A_506 = arith.constant 1 : i32
      %div3A_507 = arith.divsi %add3A_498, %jit3A_506 : i32
      %sign3A_508 = arith.constant 0 : i32
      %sign3A_509 = arith.cmpi sgt, %add3A_498, %sign3A_508 : i32
      %sign3A_510 = arith.extui %sign3A_509 : i1 to i32
      %sign3A_511 = arith.constant 0 : i32
      %sign3A_512 = arith.cmpi slt, %add3A_498, %sign3A_511 : i32
      %sign3A_513 = arith.extui %sign3A_512 : i1 to i32
      %sign3A_514 = arith.subi %sign3A_510, %sign3A_513 : i32
      %sign3A_515 = arith.constant 0 : i32
      %sign3A_516 = arith.cmpi sgt, %jit3A_506, %sign3A_515 : i32
      %sign3A_517 = arith.extui %sign3A_516 : i1 to i32
      %sign3A_518 = arith.constant 0 : i32
      %sign3A_519 = arith.cmpi slt, %jit3A_506, %sign3A_518 : i32
      %sign3A_520 = arith.extui %sign3A_519 : i1 to i32
      %sign3A_521 = arith.subi %sign3A_517, %sign3A_520 : i32
      %ne3A_522 = arith.cmpi ne, %sign3A_514, %sign3A_521 : i32
      %rem3A_523 = arith.remsi %add3A_498, %jit3A_506 : i32
      %ne3A_524 = arith.constant 0 : i32
      %ne3A_525 = arith.cmpi ne, %rem3A_523, %ne3A_524 : i32
      %and3A_526 = arith.andi %ne3A_522, %ne3A_525 : i1
      %sub3A_527 = arith.constant 1 : i32
      %sub3A_528 = arith.subi %div3A_507, %sub3A_527 : i32
      %select_n3A_529 = arith.select %and3A_526, %sub3A_528, %div3A_507 : i32
      %jit3A_530 = arith.constant 1 : i32
      %eq3A_531 = arith.constant 0 : i32
      %eq3A_532 = arith.cmpi eq, %jit3A_530, %eq3A_531 : i32
      %jit3A_533 = arith.constant 1 : i32
      %select_n3A_534 = arith.select %eq3A_532, %jit3A_533, %jit3A_530 : i32
      %rem3A_535 = arith.remsi %add3A_498, %select_n3A_534 : i32
      %ne3A_536 = arith.constant 0 : i32
      %ne3A_537 = arith.cmpi ne, %rem3A_535, %ne3A_536 : i32
      %lt3A_538 = arith.constant 0 : i32
      %lt3A_539 = arith.cmpi slt, %rem3A_535, %lt3A_538 : i32
      %lt3A_540 = arith.constant 0 : i32
      %lt3A_541 = arith.cmpi slt, %select_n3A_534, %lt3A_540 : i32
      %ne3A_542 = arith.xori %lt3A_539, %lt3A_541 : i1
      %and3A_543 = arith.andi %ne3A_542, %ne3A_537 : i1
      %add3A_544 = arith.addi %rem3A_535, %select_n3A_534 : i32
      %select_n3A_545 = arith.select %and3A_543, %add3A_544, %rem3A_535 : i32
      %mul3A_546 = arith.constant 128 : i32
      %mul3A_547 = arith.muli %select_n3A_545, %mul3A_546 : i32
      %add3A_548 = arith.addi %mul3A_2, %mul3A_547 : i32
      %dma_start3A_549 = arith.constant 0 : i32
      %dma_start3A_550 = tpu.memref_slice %arg4[%select_n3A_529, %add3A_548, %dma_start3A_549] : memref<50x4096x128xf32, #tpu.memory_space<hbm>> -> memref<1x128x128xf32, #tpu.memory_space<hbm>>
      %dma_start3A_551 = tpu.memref_squeeze %dma_start3A_550 : memref<1x128x128xf32, #tpu.memory_space<hbm>> -> memref<128x128xf32, #tpu.memory_space<hbm>>
      %dma_start3A_552 = arith.constant 0 : i32
      %dma_start3A_553 = tpu.memref_slice %arg4[%select_n3A_529, %add3A_548, %dma_start3A_552] : memref<50x4096x128xf32, #tpu.memory_space<hbm>> -> memref<1x128x128xf32, #tpu.memory_space<hbm>>
      %dma_start3A_554 = tpu.memref_squeeze %dma_start3A_553 : memref<1x128x128xf32, #tpu.memory_space<hbm>> -> memref<128x128xf32, #tpu.memory_space<hbm>>
      tpu.enqueue_dma source(%arg9 : memref<128x128xf32, #tpu.memory_space<vmem>>) target(%dma_start3A_554 : memref<128x128xf32, #tpu.memory_space<hbm>>) target_semaphore(%arg19 : memref<!tpu.dma_semaphore, #tpu.memory_space<semaphore_mem>>)
      %dma_wait3A_555 = arith.constant 0 : i32
      %dma_wait3A_556 = arith.constant 0 : i32
      %dma_wait3A_557 = tpu.memref_slice %arg4[%dma_wait3A_555, %mul3A_2, %dma_wait3A_556] : memref<50x4096x128xf32, #tpu.memory_space<hbm>> -> memref<1x128x128xf32, #tpu.memory_space<hbm>>
      %dma_wait3A_558 = tpu.memref_squeeze %dma_wait3A_557 : memref<1x128x128xf32, #tpu.memory_space<hbm>> -> memref<128x128xf32, #tpu.memory_space<hbm>>
      %dma_wait3A_559 = arith.constant 0 : i32
      %dma_wait3A_560 = tpu.memref_slice %arg4[%dma_wait3A_555, %mul3A_2, %dma_wait3A_559] : memref<50x4096x128xf32, #tpu.memory_space<hbm>> -> memref<1x128x128xf32, #tpu.memory_space<hbm>>
      %dma_wait3A_561 = tpu.memref_squeeze %dma_wait3A_560 : memref<1x128x128xf32, #tpu.memory_space<hbm>> -> memref<128x128xf32, #tpu.memory_space<hbm>>
      tpu.wait_dma2 semaphore(%arg19 : memref<!tpu.dma_semaphore, #tpu.memory_space<semaphore_mem>>) src(%arg9 : memref<128x128xf32, #tpu.memory_space<vmem>>) dst(%dma_wait3A_561 : memref<128x128xf32, #tpu.memory_space<hbm>>)
      %add3A_562 = arith.constant 5 : i32
      %add3A_563 = arith.addi %add3A_498, %add3A_562 : i32
      %jit3A_564 = arith.constant 1 : i32
      %div3A_565 = arith.divsi %add3A_563, %jit3A_564 : i32
      %sign3A_566 = arith.constant 0 : i32
      %sign3A_567 = arith.cmpi sgt, %add3A_563, %sign3A_566 : i32
      %sign3A_568 = arith.extui %sign3A_567 : i1 to i32
      %sign3A_569 = arith.constant 0 : i32
      %sign3A_570 = arith.cmpi slt, %add3A_563, %sign3A_569 : i32
      %sign3A_571 = arith.extui %sign3A_570 : i1 to i32
      %sign3A_572 = arith.subi %sign3A_568, %sign3A_571 : i32
      %sign3A_573 = arith.constant 0 : i32
      %sign3A_574 = arith.cmpi sgt, %jit3A_564, %sign3A_573 : i32
      %sign3A_575 = arith.extui %sign3A_574 : i1 to i32
      %sign3A_576 = arith.constant 0 : i32
      %sign3A_577 = arith.cmpi slt, %jit3A_564, %sign3A_576 : i32
      %sign3A_578 = arith.extui %sign3A_577 : i1 to i32
      %sign3A_579 = arith.subi %sign3A_575, %sign3A_578 : i32
      %ne3A_580 = arith.cmpi ne, %sign3A_572, %sign3A_579 : i32
      %rem3A_581 = arith.remsi %add3A_563, %jit3A_564 : i32
      %ne3A_582 = arith.constant 0 : i32
      %ne3A_583 = arith.cmpi ne, %rem3A_581, %ne3A_582 : i32
      %and3A_584 = arith.andi %ne3A_580, %ne3A_583 : i1
      %sub3A_585 = arith.constant 1 : i32
      %sub3A_586 = arith.subi %div3A_565, %sub3A_585 : i32
      %select_n3A_587 = arith.select %and3A_584, %sub3A_586, %div3A_565 : i32
      %jit3A_588 = arith.constant 1 : i32
      %eq3A_589 = arith.constant 0 : i32
      %eq3A_590 = arith.cmpi eq, %jit3A_588, %eq3A_589 : i32
      %jit3A_591 = arith.constant 1 : i32
      %select_n3A_592 = arith.select %eq3A_590, %jit3A_591, %jit3A_588 : i32
      %rem3A_593 = arith.remsi %add3A_563, %select_n3A_592 : i32
      %ne3A_594 = arith.constant 0 : i32
      %ne3A_595 = arith.cmpi ne, %rem3A_593, %ne3A_594 : i32
      %lt3A_596 = arith.constant 0 : i32
      %lt3A_597 = arith.cmpi slt, %rem3A_593, %lt3A_596 : i32
      %lt3A_598 = arith.constant 0 : i32
      %lt3A_599 = arith.cmpi slt, %select_n3A_592, %lt3A_598 : i32
      %ne3A_600 = arith.xori %lt3A_597, %lt3A_599 : i1
      %and3A_601 = arith.andi %ne3A_600, %ne3A_595 : i1
      %add3A_602 = arith.addi %rem3A_593, %select_n3A_592 : i32
      %select_n3A_603 = arith.select %and3A_601, %add3A_602, %rem3A_593 : i32
      %mul3A_604 = arith.constant 128 : i32
      %mul3A_605 = arith.muli %select_n3A_603, %mul3A_604 : i32
      %dma_start3A_606 = tpu.memref_slice %arg5[%select_n3A_587, %mul3A_605] : memref<50x128xi32, #tpu.memory_space<vmem>> -> memref<1x128xi32, #tpu.memory_space<vmem>>
      %dma_start3A_607 = tpu.memref_squeeze %dma_start3A_606 : memref<1x128xi32, #tpu.memory_space<vmem>> -> memref<128xi32, #tpu.memory_space<vmem>>
      %dma_start3A_608 = arith.constant 0 : i32
      %dma_start3A_609 = arith.constant 0 : i32
      %dma_start3A_610 = tpu.memref_slice %arg3[%dma_start3A_608, %dma_start3A_609] : memref<100000x128xf32, #tpu.memory_space<hbm>> -> memref<100000x128xf32, #tpu.memory_space<hbm>>
      tpu.enqueue_indirect_dma source(%dma_start3A_610 : memref<100000x128xf32, #tpu.memory_space<hbm>>) target(%arg9 : memref<128x128xf32, #tpu.memory_space<vmem>>) offsets(%dma_start3A_607 : memref<128xi32, #tpu.memory_space<vmem>>) semaphore(%arg14 : memref<!tpu.dma_semaphore, #tpu.memory_space<semaphore_mem>>)
      %mul3A_611 = arith.constant 5 : i32
      %mul3A_612 = arith.muli %scan3A_156, %mul3A_611 : i32
      %add3A_613 = arith.constant 4 : i32
      %add3A_614 = arith.addi %mul3A_612, %add3A_613 : i32
      %dma_wait3A_615 = arith.constant 0 : i32
      %dma_wait3A_616 = arith.constant 0 : i32
      %dma_wait3A_617 = tpu.memref_slice %arg5[%dma_wait3A_615, %dma_wait3A_616] : memref<50x128xi32, #tpu.memory_space<vmem>> -> memref<1x128xi32, #tpu.memory_space<vmem>>
      %dma_wait3A_618 = tpu.memref_squeeze %dma_wait3A_617 : memref<1x128xi32, #tpu.memory_space<vmem>> -> memref<128xi32, #tpu.memory_space<vmem>>
      %dma_wait3A_619 = arith.constant 0 : i32
      %dma_wait3A_620 = arith.constant 0 : i32
      %dma_wait3A_621 = tpu.memref_slice %arg3[%dma_wait3A_619, %dma_wait3A_620] : memref<100000x128xf32, #tpu.memory_space<hbm>> -> memref<100000x128xf32, #tpu.memory_space<hbm>>
      tpu.wait_indirect_dma semaphore(%arg15 : memref<!tpu.dma_semaphore, #tpu.memory_space<semaphore_mem>>) src(%dma_wait3A_621 : memref<100000x128xf32, #tpu.memory_space<hbm>>) dst(%arg10 : memref<128x128xf32, #tpu.memory_space<vmem>>)
      %jit3A_622 = arith.constant 1 : i32
      %div3A_623 = arith.divsi %add3A_614, %jit3A_622 : i32
      %sign3A_624 = arith.constant 0 : i32
      %sign3A_625 = arith.cmpi sgt, %add3A_614, %sign3A_624 : i32
      %sign3A_626 = arith.extui %sign3A_625 : i1 to i32
      %sign3A_627 = arith.constant 0 : i32
      %sign3A_628 = arith.cmpi slt, %add3A_614, %sign3A_627 : i32
      %sign3A_629 = arith.extui %sign3A_628 : i1 to i32
      %sign3A_630 = arith.subi %sign3A_626, %sign3A_629 : i32
      %sign3A_631 = arith.constant 0 : i32
      %sign3A_632 = arith.cmpi sgt, %jit3A_622, %sign3A_631 : i32
      %sign3A_633 = arith.extui %sign3A_632 : i1 to i32
      %sign3A_634 = arith.constant 0 : i32
      %sign3A_635 = arith.cmpi slt, %jit3A_622, %sign3A_634 : i32
      %sign3A_636 = arith.extui %sign3A_635 : i1 to i32
      %sign3A_637 = arith.subi %sign3A_633, %sign3A_636 : i32
      %ne3A_638 = arith.cmpi ne, %sign3A_630, %sign3A_637 : i32
      %rem3A_639 = arith.remsi %add3A_614, %jit3A_622 : i32
      %ne3A_640 = arith.constant 0 : i32
      %ne3A_641 = arith.cmpi ne, %rem3A_639, %ne3A_640 : i32
      %and3A_642 = arith.andi %ne3A_638, %ne3A_641 : i1
      %sub3A_643 = arith.constant 1 : i32
      %sub3A_644 = arith.subi %div3A_623, %sub3A_643 : i32
      %select_n3A_645 = arith.select %and3A_642, %sub3A_644, %div3A_623 : i32
      %jit3A_646 = arith.constant 1 : i32
      %eq3A_647 = arith.constant 0 : i32
      %eq3A_648 = arith.cmpi eq, %jit3A_646, %eq3A_647 : i32
      %jit3A_649 = arith.constant 1 : i32
      %select_n3A_650 = arith.select %eq3A_648, %jit3A_649, %jit3A_646 : i32
      %rem3A_651 = arith.remsi %add3A_614, %select_n3A_650 : i32
      %ne3A_652 = arith.constant 0 : i32
      %ne3A_653 = arith.cmpi ne, %rem3A_651, %ne3A_652 : i32
      %lt3A_654 = arith.constant 0 : i32
      %lt3A_655 = arith.cmpi slt, %rem3A_651, %lt3A_654 : i32
      %lt3A_656 = arith.constant 0 : i32
      %lt3A_657 = arith.cmpi slt, %select_n3A_650, %lt3A_656 : i32
      %ne3A_658 = arith.xori %lt3A_655, %lt3A_657 : i1
      %and3A_659 = arith.andi %ne3A_658, %ne3A_653 : i1
      %add3A_660 = arith.addi %rem3A_651, %select_n3A_650 : i32
      %select_n3A_661 = arith.select %and3A_659, %add3A_660, %rem3A_651 : i32
      %mul3A_662 = arith.constant 128 : i32
      %mul3A_663 = arith.muli %select_n3A_661, %mul3A_662 : i32
      %add3A_664 = arith.addi %mul3A_2, %mul3A_663 : i32
      %dma_start3A_665 = arith.constant 0 : i32
      %dma_start3A_666 = tpu.memref_slice %arg4[%select_n3A_645, %add3A_664, %dma_start3A_665] : memref<50x4096x128xf32, #tpu.memory_space<hbm>> -> memref<1x128x128xf32, #tpu.memory_space<hbm>>
      %dma_start3A_667 = tpu.memref_squeeze %dma_start3A_666 : memref<1x128x128xf32, #tpu.memory_space<hbm>> -> memref<128x128xf32, #tpu.memory_space<hbm>>
      %dma_start3A_668 = arith.constant 0 : i32
      %dma_start3A_669 = tpu.memref_slice %arg4[%select_n3A_645, %add3A_664, %dma_start3A_668] : memref<50x4096x128xf32, #tpu.memory_space<hbm>> -> memref<1x128x128xf32, #tpu.memory_space<hbm>>
      %dma_start3A_670 = tpu.memref_squeeze %dma_start3A_669 : memref<1x128x128xf32, #tpu.memory_space<hbm>> -> memref<128x128xf32, #tpu.memory_space<hbm>>
      tpu.enqueue_dma source(%arg10 : memref<128x128xf32, #tpu.memory_space<vmem>>) target(%dma_start3A_670 : memref<128x128xf32, #tpu.memory_space<hbm>>) target_semaphore(%arg20 : memref<!tpu.dma_semaphore, #tpu.memory_space<semaphore_mem>>)
      %dma_wait3A_671 = arith.constant 0 : i32
      %dma_wait3A_672 = arith.constant 0 : i32
      %dma_wait3A_673 = tpu.memref_slice %arg4[%dma_wait3A_671, %mul3A_2, %dma_wait3A_672] : memref<50x4096x128xf32, #tpu.memory_space<hbm>> -> memref<1x128x128xf32, #tpu.memory_space<hbm>>
      %dma_wait3A_674 = tpu.memref_squeeze %dma_wait3A_673 : memref<1x128x128xf32, #tpu.memory_space<hbm>> -> memref<128x128xf32, #tpu.memory_space<hbm>>
      %dma_wait3A_675 = arith.constant 0 : i32
      %dma_wait3A_676 = tpu.memref_slice %arg4[%dma_wait3A_671, %mul3A_2, %dma_wait3A_675] : memref<50x4096x128xf32, #tpu.memory_space<hbm>> -> memref<1x128x128xf32, #tpu.memory_space<hbm>>
      %dma_wait3A_677 = tpu.memref_squeeze %dma_wait3A_676 : memref<1x128x128xf32, #tpu.memory_space<hbm>> -> memref<128x128xf32, #tpu.memory_space<hbm>>
      tpu.wait_dma2 semaphore(%arg20 : memref<!tpu.dma_semaphore, #tpu.memory_space<semaphore_mem>>) src(%arg10 : memref<128x128xf32, #tpu.memory_space<vmem>>) dst(%dma_wait3A_677 : memref<128x128xf32, #tpu.memory_space<hbm>>)
      %add3A_678 = arith.constant 5 : i32
      %add3A_679 = arith.addi %add3A_614, %add3A_678 : i32
      %jit3A_680 = arith.constant 1 : i32
      %div3A_681 = arith.divsi %add3A_679, %jit3A_680 : i32
      %sign3A_682 = arith.constant 0 : i32
      %sign3A_683 = arith.cmpi sgt, %add3A_679, %sign3A_682 : i32
      %sign3A_684 = arith.extui %sign3A_683 : i1 to i32
      %sign3A_685 = arith.constant 0 : i32
      %sign3A_686 = arith.cmpi slt, %add3A_679, %sign3A_685 : i32
      %sign3A_687 = arith.extui %sign3A_686 : i1 to i32
      %sign3A_688 = arith.subi %sign3A_684, %sign3A_687 : i32
      %sign3A_689 = arith.constant 0 : i32
      %sign3A_690 = arith.cmpi sgt, %jit3A_680, %sign3A_689 : i32
      %sign3A_691 = arith.extui %sign3A_690 : i1 to i32
      %sign3A_692 = arith.constant 0 : i32
      %sign3A_693 = arith.cmpi slt, %jit3A_680, %sign3A_692 : i32
      %sign3A_694 = arith.extui %sign3A_693 : i1 to i32
      %sign3A_695 = arith.subi %sign3A_691, %sign3A_694 : i32
      %ne3A_696 = arith.cmpi ne, %sign3A_688, %sign3A_695 : i32
      %rem3A_697 = arith.remsi %add3A_679, %jit3A_680 : i32
      %ne3A_698 = arith.constant 0 : i32
      %ne3A_699 = arith.cmpi ne, %rem3A_697, %ne3A_698 : i32
      %and3A_700 = arith.andi %ne3A_696, %ne3A_699 : i1
      %sub3A_701 = arith.constant 1 : i32
      %sub3A_702 = arith.subi %div3A_681, %sub3A_701 : i32
      %select_n3A_703 = arith.select %and3A_700, %sub3A_702, %div3A_681 : i32
      %jit3A_704 = arith.constant 1 : i32
      %eq3A_705 = arith.constant 0 : i32
      %eq3A_706 = arith.cmpi eq, %jit3A_704, %eq3A_705 : i32
      %jit3A_707 = arith.constant 1 : i32
      %select_n3A_708 = arith.select %eq3A_706, %jit3A_707, %jit3A_704 : i32
      %rem3A_709 = arith.remsi %add3A_679, %select_n3A_708 : i32
      %ne3A_710 = arith.constant 0 : i32
      %ne3A_711 = arith.cmpi ne, %rem3A_709, %ne3A_710 : i32
      %lt3A_712 = arith.constant 0 : i32
      %lt3A_713 = arith.cmpi slt, %rem3A_709, %lt3A_712 : i32
      %lt3A_714 = arith.constant 0 : i32
      %lt3A_715 = arith.cmpi slt, %select_n3A_708, %lt3A_714 : i32
      %ne3A_716 = arith.xori %lt3A_713, %lt3A_715 : i1
      %and3A_717 = arith.andi %ne3A_716, %ne3A_711 : i1
      %add3A_718 = arith.addi %rem3A_709, %select_n3A_708 : i32
      %select_n3A_719 = arith.select %and3A_717, %add3A_718, %rem3A_709 : i32
      %mul3A_720 = arith.constant 128 : i32
      %mul3A_721 = arith.muli %select_n3A_719, %mul3A_720 : i32
      %dma_start3A_722 = tpu.memref_slice %arg5[%select_n3A_703, %mul3A_721] : memref<50x128xi32, #tpu.memory_space<vmem>> -> memref<1x128xi32, #tpu.memory_space<vmem>>
      %dma_start3A_723 = tpu.memref_squeeze %dma_start3A_722 : memref<1x128xi32, #tpu.memory_space<vmem>> -> memref<128xi32, #tpu.memory_space<vmem>>
      %dma_start3A_724 = arith.constant 0 : i32
      %dma_start3A_725 = arith.constant 0 : i32
      %dma_start3A_726 = tpu.memref_slice %arg3[%dma_start3A_724, %dma_start3A_725] : memref<100000x128xf32, #tpu.memory_space<hbm>> -> memref<100000x128xf32, #tpu.memory_space<hbm>>
      tpu.enqueue_indirect_dma source(%dma_start3A_726 : memref<100000x128xf32, #tpu.memory_space<hbm>>) target(%arg10 : memref<128x128xf32, #tpu.memory_space<vmem>>) offsets(%dma_start3A_723 : memref<128xi32, #tpu.memory_space<vmem>>) semaphore(%arg15 : memref<!tpu.dma_semaphore, #tpu.memory_space<semaphore_mem>>)
    }
    %scan3A_41 = arith.constant 9 : i32
    %dma_wait3A = arith.constant 0 : i32
    %dma_wait3A_42 = arith.constant 0 : i32
    %dma_wait3A_43 = tpu.memref_slice %arg5[%dma_wait3A, %dma_wait3A_42] : memref<50x128xi32, #tpu.memory_space<vmem>> -> memref<1x128xi32, #tpu.memory_space<vmem>>
    %dma_wait3A_44 = tpu.memref_squeeze %dma_wait3A_43 : memref<1x128xi32, #tpu.memory_space<vmem>> -> memref<128xi32, #tpu.memory_space<vmem>>
    %dma_wait3A_45 = arith.constant 0 : i32
    %dma_wait3A_46 = arith.constant 0 : i32
    %dma_wait3A_47 = tpu.memref_slice %arg3[%dma_wait3A_45, %dma_wait3A_46] : memref<100000x128xf32, #tpu.memory_space<hbm>> -> memref<100000x128xf32, #tpu.memory_space<hbm>>
    tpu.wait_indirect_dma semaphore(%arg11 : memref<!tpu.dma_semaphore, #tpu.memory_space<semaphore_mem>>) src(%dma_wait3A_47 : memref<100000x128xf32, #tpu.memory_space<hbm>>) dst(%arg6 : memref<128x128xf32, #tpu.memory_space<vmem>>)
    %add3A_48 = arith.constant 0 : i32
    %add3A_49 = arith.addi %mul3A_2, %add3A_48 : i32
    %dma_start3A_50 = arith.constant 45 : i32
    %dma_start3A_51 = arith.constant 0 : i32
    %dma_start3A_52 = tpu.memref_slice %arg4[%dma_start3A_50, %add3A_49, %dma_start3A_51] : memref<50x4096x128xf32, #tpu.memory_space<hbm>> -> memref<1x128x128xf32, #tpu.memory_space<hbm>>
    %dma_start3A_53 = tpu.memref_squeeze %dma_start3A_52 : memref<1x128x128xf32, #tpu.memory_space<hbm>> -> memref<128x128xf32, #tpu.memory_space<hbm>>
    %dma_start3A_54 = arith.constant 0 : i32
    %dma_start3A_55 = tpu.memref_slice %arg4[%dma_start3A_50, %add3A_49, %dma_start3A_54] : memref<50x4096x128xf32, #tpu.memory_space<hbm>> -> memref<1x128x128xf32, #tpu.memory_space<hbm>>
    %dma_start3A_56 = tpu.memref_squeeze %dma_start3A_55 : memref<1x128x128xf32, #tpu.memory_space<hbm>> -> memref<128x128xf32, #tpu.memory_space<hbm>>
    tpu.enqueue_dma source(%arg6 : memref<128x128xf32, #tpu.memory_space<vmem>>) target(%dma_start3A_56 : memref<128x128xf32, #tpu.memory_space<hbm>>) target_semaphore(%arg16 : memref<!tpu.dma_semaphore, #tpu.memory_space<semaphore_mem>>)
    %dma_wait3A_57 = arith.constant 0 : i32
    %dma_wait3A_58 = arith.constant 0 : i32
    %dma_wait3A_59 = tpu.memref_slice %arg5[%dma_wait3A_57, %dma_wait3A_58] : memref<50x128xi32, #tpu.memory_space<vmem>> -> memref<1x128xi32, #tpu.memory_space<vmem>>
    %dma_wait3A_60 = tpu.memref_squeeze %dma_wait3A_59 : memref<1x128xi32, #tpu.memory_space<vmem>> -> memref<128xi32, #tpu.memory_space<vmem>>
    %dma_wait3A_61 = arith.constant 0 : i32
    %dma_wait3A_62 = arith.constant 0 : i32
    %dma_wait3A_63 = tpu.memref_slice %arg3[%dma_wait3A_61, %dma_wait3A_62] : memref<100000x128xf32, #tpu.memory_space<hbm>> -> memref<100000x128xf32, #tpu.memory_space<hbm>>
    tpu.wait_indirect_dma semaphore(%arg12 : memref<!tpu.dma_semaphore, #tpu.memory_space<semaphore_mem>>) src(%dma_wait3A_63 : memref<100000x128xf32, #tpu.memory_space<hbm>>) dst(%arg7 : memref<128x128xf32, #tpu.memory_space<vmem>>)
    %add3A_64 = arith.constant 0 : i32
    %add3A_65 = arith.addi %mul3A_2, %add3A_64 : i32
    %dma_start3A_66 = arith.constant 46 : i32
    %dma_start3A_67 = arith.constant 0 : i32
    %dma_start3A_68 = tpu.memref_slice %arg4[%dma_start3A_66, %add3A_65, %dma_start3A_67] : memref<50x4096x128xf32, #tpu.memory_space<hbm>> -> memref<1x128x128xf32, #tpu.memory_space<hbm>>
    %dma_start3A_69 = tpu.memref_squeeze %dma_start3A_68 : memref<1x128x128xf32, #tpu.memory_space<hbm>> -> memref<128x128xf32, #tpu.memory_space<hbm>>
    %dma_start3A_70 = arith.constant 0 : i32
    %dma_start3A_71 = tpu.memref_slice %arg4[%dma_start3A_66, %add3A_65, %dma_start3A_70] : memref<50x4096x128xf32, #tpu.memory_space<hbm>> -> memref<1x128x128xf32, #tpu.memory_space<hbm>>
    %dma_start3A_72 = tpu.memref_squeeze %dma_start3A_71 : memref<1x128x128xf32, #tpu.memory_space<hbm>> -> memref<128x128xf32, #tpu.memory_space<hbm>>
    tpu.enqueue_dma source(%arg7 : memref<128x128xf32, #tpu.memory_space<vmem>>) target(%dma_start3A_72 : memref<128x128xf32, #tpu.memory_space<hbm>>) target_semaphore(%arg17 : memref<!tpu.dma_semaphore, #tpu.memory_space<semaphore_mem>>)
    %dma_wait3A_73 = arith.constant 0 : i32
    %dma_wait3A_74 = arith.constant 0 : i32
    %dma_wait3A_75 = tpu.memref_slice %arg5[%dma_wait3A_73, %dma_wait3A_74] : memref<50x128xi32, #tpu.memory_space<vmem>> -> memref<1x128xi32, #tpu.memory_space<vmem>>
    %dma_wait3A_76 = tpu.memref_squeeze %dma_wait3A_75 : memref<1x128xi32, #tpu.memory_space<vmem>> -> memref<128xi32, #tpu.memory_space<vmem>>
    %dma_wait3A_77 = arith.constant 0 : i32
    %dma_wait3A_78 = arith.constant 0 : i32
    %dma_wait3A_79 = tpu.memref_slice %arg3[%dma_wait3A_77, %dma_wait3A_78] : memref<100000x128xf32, #tpu.memory_space<hbm>> -> memref<100000x128xf32, #tpu.memory_space<hbm>>
    tpu.wait_indirect_dma semaphore(%arg13 : memref<!tpu.dma_semaphore, #tpu.memory_space<semaphore_mem>>) src(%dma_wait3A_79 : memref<100000x128xf32, #tpu.memory_space<hbm>>) dst(%arg8 : memref<128x128xf32, #tpu.memory_space<vmem>>)
    %add3A_80 = arith.constant 0 : i32
    %add3A_81 = arith.addi %mul3A_2, %add3A_80 : i32
    %dma_start3A_82 = arith.constant 47 : i32
    %dma_start3A_83 = arith.constant 0 : i32
    %dma_start3A_84 = tpu.memref_slice %arg4[%dma_start3A_82, %add3A_81, %dma_start3A_83] : memref<50x4096x128xf32, #tpu.memory_space<hbm>> -> memref<1x128x128xf32, #tpu.memory_space<hbm>>
    %dma_start3A_85 = tpu.memref_squeeze %dma_start3A_84 : memref<1x128x128xf32, #tpu.memory_space<hbm>> -> memref<128x128xf32, #tpu.memory_space<hbm>>
    %dma_start3A_86 = arith.constant 0 : i32
    %dma_start3A_87 = tpu.memref_slice %arg4[%dma_start3A_82, %add3A_81, %dma_start3A_86] : memref<50x4096x128xf32, #tpu.memory_space<hbm>> -> memref<1x128x128xf32, #tpu.memory_space<hbm>>
    %dma_start3A_88 = tpu.memref_squeeze %dma_start3A_87 : memref<1x128x128xf32, #tpu.memory_space<hbm>> -> memref<128x128xf32, #tpu.memory_space<hbm>>
    tpu.enqueue_dma source(%arg8 : memref<128x128xf32, #tpu.memory_space<vmem>>) target(%dma_start3A_88 : memref<128x128xf32, #tpu.memory_space<hbm>>) target_semaphore(%arg18 : memref<!tpu.dma_semaphore, #tpu.memory_space<semaphore_mem>>)
    %dma_wait3A_89 = arith.constant 0 : i32
    %dma_wait3A_90 = arith.constant 0 : i32
    %dma_wait3A_91 = tpu.memref_slice %arg5[%dma_wait3A_89, %dma_wait3A_90] : memref<50x128xi32, #tpu.memory_space<vmem>> -> memref<1x128xi32, #tpu.memory_space<vmem>>
    %dma_wait3A_92 = tpu.memref_squeeze %dma_wait3A_91 : memref<1x128xi32, #tpu.memory_space<vmem>> -> memref<128xi32, #tpu.memory_space<vmem>>
    %dma_wait3A_93 = arith.constant 0 : i32
    %dma_wait3A_94 = arith.constant 0 : i32
    %dma_wait3A_95 = tpu.memref_slice %arg3[%dma_wait3A_93, %dma_wait3A_94] : memref<100000x128xf32, #tpu.memory_space<hbm>> -> memref<100000x128xf32, #tpu.memory_space<hbm>>
    tpu.wait_indirect_dma semaphore(%arg14 : memref<!tpu.dma_semaphore, #tpu.memory_space<semaphore_mem>>) src(%dma_wait3A_95 : memref<100000x128xf32, #tpu.memory_space<hbm>>) dst(%arg9 : memref<128x128xf32, #tpu.memory_space<vmem>>)
    %add3A_96 = arith.constant 0 : i32
    %add3A_97 = arith.addi %mul3A_2, %add3A_96 : i32
    %dma_start3A_98 = arith.constant 48 : i32
    %dma_start3A_99 = arith.constant 0 : i32
    %dma_start3A_100 = tpu.memref_slice %arg4[%dma_start3A_98, %add3A_97, %dma_start3A_99] : memref<50x4096x128xf32, #tpu.memory_space<hbm>> -> memref<1x128x128xf32, #tpu.memory_space<hbm>>
    %dma_start3A_101 = tpu.memref_squeeze %dma_start3A_100 : memref<1x128x128xf32, #tpu.memory_space<hbm>> -> memref<128x128xf32, #tpu.memory_space<hbm>>
    %dma_start3A_102 = arith.constant 0 : i32
    %dma_start3A_103 = tpu.memref_slice %arg4[%dma_start3A_98, %add3A_97, %dma_start3A_102] : memref<50x4096x128xf32, #tpu.memory_space<hbm>> -> memref<1x128x128xf32, #tpu.memory_space<hbm>>
    %dma_start3A_104 = tpu.memref_squeeze %dma_start3A_103 : memref<1x128x128xf32, #tpu.memory_space<hbm>> -> memref<128x128xf32, #tpu.memory_space<hbm>>
    tpu.enqueue_dma source(%arg9 : memref<128x128xf32, #tpu.memory_space<vmem>>) target(%dma_start3A_104 : memref<128x128xf32, #tpu.memory_space<hbm>>) target_semaphore(%arg19 : memref<!tpu.dma_semaphore, #tpu.memory_space<semaphore_mem>>)
    %dma_wait3A_105 = arith.constant 0 : i32
    %dma_wait3A_106 = arith.constant 0 : i32
    %dma_wait3A_107 = tpu.memref_slice %arg5[%dma_wait3A_105, %dma_wait3A_106] : memref<50x128xi32, #tpu.memory_space<vmem>> -> memref<1x128xi32, #tpu.memory_space<vmem>>
    %dma_wait3A_108 = tpu.memref_squeeze %dma_wait3A_107 : memref<1x128xi32, #tpu.memory_space<vmem>> -> memref<128xi32, #tpu.memory_space<vmem>>
    %dma_wait3A_109 = arith.constant 0 : i32
    %dma_wait3A_110 = arith.constant 0 : i32
    %dma_wait3A_111 = tpu.memref_slice %arg3[%dma_wait3A_109, %dma_wait3A_110] : memref<100000x128xf32, #tpu.memory_space<hbm>> -> memref<100000x128xf32, #tpu.memory_space<hbm>>
    tpu.wait_indirect_dma semaphore(%arg15 : memref<!tpu.dma_semaphore, #tpu.memory_space<semaphore_mem>>) src(%dma_wait3A_111 : memref<100000x128xf32, #tpu.memory_space<hbm>>) dst(%arg10 : memref<128x128xf32, #tpu.memory_space<vmem>>)
    %add3A_112 = arith.constant 0 : i32
    %add3A_113 = arith.addi %mul3A_2, %add3A_112 : i32
    %dma_start3A_114 = arith.constant 49 : i32
    %dma_start3A_115 = arith.constant 0 : i32
    %dma_start3A_116 = tpu.memref_slice %arg4[%dma_start3A_114, %add3A_113, %dma_start3A_115] : memref<50x4096x128xf32, #tpu.memory_space<hbm>> -> memref<1x128x128xf32, #tpu.memory_space<hbm>>
    %dma_start3A_117 = tpu.memref_squeeze %dma_start3A_116 : memref<1x128x128xf32, #tpu.memory_space<hbm>> -> memref<128x128xf32, #tpu.memory_space<hbm>>
    %dma_start3A_118 = arith.constant 0 : i32
    %dma_start3A_119 = tpu.memref_slice %arg4[%dma_start3A_114, %add3A_113, %dma_start3A_118] : memref<50x4096x128xf32, #tpu.memory_space<hbm>> -> memref<1x128x128xf32, #tpu.memory_space<hbm>>
    %dma_start3A_120 = tpu.memref_squeeze %dma_start3A_119 : memref<1x128x128xf32, #tpu.memory_space<hbm>> -> memref<128x128xf32, #tpu.memory_space<hbm>>
    tpu.enqueue_dma source(%arg10 : memref<128x128xf32, #tpu.memory_space<vmem>>) target(%dma_start3A_120 : memref<128x128xf32, #tpu.memory_space<hbm>>) target_semaphore(%arg20 : memref<!tpu.dma_semaphore, #tpu.memory_space<semaphore_mem>>)
    %dma_wait3A_121 = arith.constant 0 : i32
    %dma_wait3A_122 = arith.constant 0 : i32
    %dma_wait3A_123 = tpu.memref_slice %arg4[%dma_wait3A_121, %mul3A_2, %dma_wait3A_122] : memref<50x4096x128xf32, #tpu.memory_space<hbm>> -> memref<1x128x128xf32, #tpu.memory_space<hbm>>
    %dma_wait3A_124 = tpu.memref_squeeze %dma_wait3A_123 : memref<1x128x128xf32, #tpu.memory_space<hbm>> -> memref<128x128xf32, #tpu.memory_space<hbm>>
    %dma_wait3A_125 = arith.constant 0 : i32
    %dma_wait3A_126 = tpu.memref_slice %arg4[%dma_wait3A_121, %mul3A_2, %dma_wait3A_125] : memref<50x4096x128xf32, #tpu.memory_space<hbm>> -> memref<1x128x128xf32, #tpu.memory_space<hbm>>
    %dma_wait3A_127 = tpu.memref_squeeze %dma_wait3A_126 : memref<1x128x128xf32, #tpu.memory_space<hbm>> -> memref<128x128xf32, #tpu.memory_space<hbm>>
    tpu.wait_dma2 semaphore(%arg16 : memref<!tpu.dma_semaphore, #tpu.memory_space<semaphore_mem>>) src(%arg6 : memref<128x128xf32, #tpu.memory_space<vmem>>) dst(%dma_wait3A_127 : memref<128x128xf32, #tpu.memory_space<hbm>>)
    %dma_wait3A_128 = arith.constant 0 : i32
    %dma_wait3A_129 = arith.constant 0 : i32
    %dma_wait3A_130 = tpu.memref_slice %arg4[%dma_wait3A_128, %mul3A_2, %dma_wait3A_129] : memref<50x4096x128xf32, #tpu.memory_space<hbm>> -> memref<1x128x128xf32, #tpu.memory_space<hbm>>
    %dma_wait3A_131 = tpu.memref_squeeze %dma_wait3A_130 : memref<1x128x128xf32, #tpu.memory_space<hbm>> -> memref<128x128xf32, #tpu.memory_space<hbm>>
    %dma_wait3A_132 = arith.constant 0 : i32
    %dma_wait3A_133 = tpu.memref_slice %arg4[%dma_wait3A_128, %mul3A_2, %dma_wait3A_132] : memref<50x4096x128xf32, #tpu.memory_space<hbm>> -> memref<1x128x128xf32, #tpu.memory_space<hbm>>
    %dma_wait3A_134 = tpu.memref_squeeze %dma_wait3A_133 : memref<1x128x128xf32, #tpu.memory_space<hbm>> -> memref<128x128xf32, #tpu.memory_space<hbm>>
    tpu.wait_dma2 semaphore(%arg17 : memref<!tpu.dma_semaphore, #tpu.memory_space<semaphore_mem>>) src(%arg7 : memref<128x128xf32, #tpu.memory_space<vmem>>) dst(%dma_wait3A_134 : memref<128x128xf32, #tpu.memory_space<hbm>>)
    %dma_wait3A_135 = arith.constant 0 : i32
    %dma_wait3A_136 = arith.constant 0 : i32
    %dma_wait3A_137 = tpu.memref_slice %arg4[%dma_wait3A_135, %mul3A_2, %dma_wait3A_136] : memref<50x4096x128xf32, #tpu.memory_space<hbm>> -> memref<1x128x128xf32, #tpu.memory_space<hbm>>
    %dma_wait3A_138 = tpu.memref_squeeze %dma_wait3A_137 : memref<1x128x128xf32, #tpu.memory_space<hbm>> -> memref<128x128xf32, #tpu.memory_space<hbm>>
    %dma_wait3A_139 = arith.constant 0 : i32
    %dma_wait3A_140 = tpu.memref_slice %arg4[%dma_wait3A_135, %mul3A_2, %dma_wait3A_139] : memref<50x4096x128xf32, #tpu.memory_space<hbm>> -> memref<1x128x128xf32, #tpu.memory_space<hbm>>
    %dma_wait3A_141 = tpu.memref_squeeze %dma_wait3A_140 : memref<1x128x128xf32, #tpu.memory_space<hbm>> -> memref<128x128xf32, #tpu.memory_space<hbm>>
    tpu.wait_dma2 semaphore(%arg18 : memref<!tpu.dma_semaphore, #tpu.memory_space<semaphore_mem>>) src(%arg8 : memref<128x128xf32, #tpu.memory_space<vmem>>) dst(%dma_wait3A_141 : memref<128x128xf32, #tpu.memory_space<hbm>>)
    %dma_wait3A_142 = arith.constant 0 : i32
    %dma_wait3A_143 = arith.constant 0 : i32
    %dma_wait3A_144 = tpu.memref_slice %arg4[%dma_wait3A_142, %mul3A_2, %dma_wait3A_143] : memref<50x4096x128xf32, #tpu.memory_space<hbm>> -> memref<1x128x128xf32, #tpu.memory_space<hbm>>
    %dma_wait3A_145 = tpu.memref_squeeze %dma_wait3A_144 : memref<1x128x128xf32, #tpu.memory_space<hbm>> -> memref<128x128xf32, #tpu.memory_space<hbm>>
    %dma_wait3A_146 = arith.constant 0 : i32
    %dma_wait3A_147 = tpu.memref_slice %arg4[%dma_wait3A_142, %mul3A_2, %dma_wait3A_146] : memref<50x4096x128xf32, #tpu.memory_space<hbm>> -> memref<1x128x128xf32, #tpu.memory_space<hbm>>
    %dma_wait3A_148 = tpu.memref_squeeze %dma_wait3A_147 : memref<1x128x128xf32, #tpu.memory_space<hbm>> -> memref<128x128xf32, #tpu.memory_space<hbm>>
    tpu.wait_dma2 semaphore(%arg19 : memref<!tpu.dma_semaphore, #tpu.memory_space<semaphore_mem>>) src(%arg9 : memref<128x128xf32, #tpu.memory_space<vmem>>) dst(%dma_wait3A_148 : memref<128x128xf32, #tpu.memory_space<hbm>>)
    %dma_wait3A_149 = arith.constant 0 : i32
    %dma_wait3A_150 = arith.constant 0 : i32
    %dma_wait3A_151 = tpu.memref_slice %arg4[%dma_wait3A_149, %mul3A_2, %dma_wait3A_150] : memref<50x4096x128xf32, #tpu.memory_space<hbm>> -> memref<1x128x128xf32, #tpu.memory_space<hbm>>
    %dma_wait3A_152 = tpu.memref_squeeze %dma_wait3A_151 : memref<1x128x128xf32, #tpu.memory_space<hbm>> -> memref<128x128xf32, #tpu.memory_space<hbm>>
    %dma_wait3A_153 = arith.constant 0 : i32
    %dma_wait3A_154 = tpu.memref_slice %arg4[%dma_wait3A_149, %mul3A_2, %dma_wait3A_153] : memref<50x4096x128xf32, #tpu.memory_space<hbm>> -> memref<1x128x128xf32, #tpu.memory_space<hbm>>
    %dma_wait3A_155 = tpu.memref_squeeze %dma_wait3A_154 : memref<1x128x128xf32, #tpu.memory_space<hbm>> -> memref<128x128xf32, #tpu.memory_space<hbm>>
    tpu.wait_dma2 semaphore(%arg20 : memref<!tpu.dma_semaphore, #tpu.memory_space<semaphore_mem>>) src(%arg10 : memref<128x128xf32, #tpu.memory_space<vmem>>) dst(%dma_wait3A_155 : memref<128x128xf32, #tpu.memory_space<hbm>>)
    return
  }
}

</mosaic_0001>

<sc_bundles>
// kernel: kernel.3.cloned.1.call-start
scs
__scs_entry_jumppad:
0x0: {  	(pc) =	sbr.rel $0x88, $3  }
0x1: {  	(tag) =	ssettag $0x0;
	lr =	simm.s32 $0x1  }
0x2: {  	[smem:$0x3F9F] =	sst lr;
	_ =	strace $0xD0000000  }
0x3: {  	_ = 	snop  }
0x4: {  	_ = 	snop  }
0x5: {  	_ = 	snop  }
0x6: {  	_ = 	snop  }
0x7: {  	_ = 	snop  }
__scs_overlays_trampoline_lowered:
0x8: {  	[smem:$0x3FAE] =	sst s0  }
0x9: {  	[smem:$0x3FAF] =	sst s1  }
0xa: {  	[smem:$0x3FB0] =	sst s2  }
0xb: {  	[smem:$0x3FB1] =	sst s3  }
0xc: {  	[smem:$0x3FB2] =	sst s4  }
0xd: {  	[smem:$0x3FB3] =	sst s5  }
0xe: {  	[smem:$0x3FB4] =	sst s6  }
0xf: {  	[smem:$0x3FB5] =	sst s7  }
0x10: {  	[smem:$0x3FB6] =	sst s8  }
0x11: {  	[smem:$0x3FB7] =	sst s9;
	s0 =	simm.s32 @!p0 $0x0  }
0x12: {  	s1 =	sld [smem:$0x3F9D];
	s0 =	simm.s32 @p0 $0x1  }
0x13: {  	[smem:$0x3FB8] =	sst s0;
	s0 =	simm.s32 @!p1 $0x0  }
0x14: {  	s2 =	sld [smem:$0x3F9C];
	s0 =	simm.s32 @p1 $0x1  }
0x15: {  	[smem:$0x3FB9] =	sst s0;
	s0 =	simm.s32 @!p2 $0x0  }
0x16: {  	s3 =	sld [smem:$0x3FDB];
	s0 =	simm.s32 @p2 $0x1  }
0x17: {  	s4 =	simm.s32 $0x1BF5;
	[smem:$0x3FBB] =	sst s0  }
0x18: {  	s0 =	sld [smem:$0x3F9E];
	_ =	swait.ge [sflag:s4], $0x0  }
0x19: {  	s7 =	sld [smem:$0x3F9F]  }
0x1a: {  	s8 =	sadd.s32 $0xFFFFE003, lr  }
0x1b: {  	s9 =	sadd.s32 $0xFFFFFEF7, lr;
	s5 =	simm.s32 $0xFFFFFFFF;
	p2 =	slt.u32 s8, $0xFFFFF086  }
0x1c: {  	p1 =	slt.u32 s9, $0xF7A;
	s5 =	simm.s32 @!p2 $0x0  }
0x1d: {  	s5 =	simm.s32 @p1 $0x1;
	p0 =	seq.s32 s7, s2  }
0x1e: {  	s7 =	smul.u32 @!p0 $0xF7A, s2;
	p2 =	seq.s32 @!p0 s5, $0x0  }
0x1f: {  	s9 =	smul.u32 $0xF7A, s1;
	s8 =	simm.s32 @!p0 $0x1BF5;
	p2 =	por !p2, p0  }
0x20: {  	[sflag:s8] =	ssyncset.s32 @!p0 $0xFFFFF086;
	s6 =	sadd.s32 @!p0 s3, s7;
	s7 =	simm.s32 @!p0 $0x108  }
0x21: {  	s3 =	sadd.s32 s3, s9;
	s6 =	sadd.s32 @!p0 $0x88, s6;
	s7 =	simm.s32 @p2 $0x1082  }
0x22: {  	[simem:s7], [sflag:s8] =	dma.local @!p0 [hbm:s6], $0xF7A  }
0x23: {  	s9 =	sor.u32 $0xD0000000, s2;
	s6 =	simm.s32 $0x108;
	_ =	swait.ge @!p0 [sflag:s8], $0x0  }
0x24: {  	s3 =	sadd.s32 $0x88, s3;
	s6 =	simm.s32 @!p1 $0x1082;
	[sflag:s4] =	ssyncset.s32 $0xFFFFF086  }
0x25: {  	[simem:s6], [sflag:s4] =	dma.local [hbm:s3], $0xF7A  }
0x26: {  	[smem:$0x3F9F] =	sst s1;
	(tag) =	ssettag s2;
	_ =	strace s9  }
0x27: {  	s1 =	sld [smem:$0x3FAF]  }
0x28: {  	s2 =	sld [smem:$0x3FB0]  }
0x29: {  	s4 =	sld [smem:$0x3FB2]  }
0x2a: {  	p0 =	seq.s32 s5, $0x0;
	s5 =	sld [smem:$0x3FB3]  }
0x2b: {  	s6 =	sld [smem:$0x3FB4]  }
0x2c: {  	s7 =	sld [smem:$0x3FB5]  }
0x2d: {  	s3 =	simm.s32 $0x108;
	s8 =	sld [smem:$0x3FB6]  }
0x2e: {  	s3 =	simm.s32 @!p0 $0x1082;
	s9 =	sld [smem:$0x3FB7]  }
0x2f: {  	lr =	sadd.s32 s0, s3;
	s0 =	sld [smem:$0x3FAE]  }
0x30: {  	s3 =	sld [smem:$0x3FB1]  }
0x31: {  	[smem:$0x3FBA] =	sst s10  }
0x32: {  	s10 =	sld [smem:$0x3FB8];
	_ =	sdelay $0x3  }
0x33: {  	p0 =	seq.s32 s10, $0x1;
	s10 =	sld [smem:$0x3FBA];
	_ =	sdelay $0x3  }
0x34: {  	[smem:$0x3FBA] =	sst s10  }
0x35: {  	s10 =	sld [smem:$0x3FB9];
	_ =	sdelay $0x3  }
0x36: {  	p1 =	seq.s32 s10, $0x1;
	s10 =	sld [smem:$0x3FBA];
	_ =	sdelay $0x3  }
0x37: {  	[smem:$0x3FBA] =	sst s10  }
0x38: {  	s10 =	sld [smem:$0x3FBB]  }
0x39: {  	_ = 	snop;
	(pc) =	sbr.ind lr, $3  }
0x3a: {  	_ = 	snop  }
0x3b: {  	_ = 	snop  }
0x3c: {  	p2 =	seq.s32 s10, $0x1;
	s10 =	sld [smem:$0x3FBA]  }
0x3d: {  	_ =	shalt  }
0x3e: {  	_ =	shalt  }
0x3f: {  	_ =	shalt  }
0x40: {  	_ =	shalt  }
0x41: {  	_ =	shalt  }
0x42: {  	_ =	shalt  }
0x43: {  	_ =	shalt  }
0x44: {  	_ =	shalt  }
0x45: {  	_ =	shalt  }
0x46: {  	_ =	shalt  }
0x47: {  	_ =	shalt  }
0x48: {  	_ =	shalt  }
0x49: {  	_ =	shalt  }
0x4a: {  	_ =	shalt  }
0x4b: {  	_ =	shalt  }
0x4c: {  	_ =	shalt  }
0x4d: {  	_ =	shalt  }
0x4e: {  	_ =	shalt  }
0x4f: {  	_ =	shalt  }
0x50: {  	_ =	shalt  }
0x51: {  	_ =	shalt  }
0x52: {  	_ =	shalt  }
0x53: {  	_ =	shalt  }
0x54: {  	_ =	shalt  }
0x55: {  	_ =	shalt  }
0x56: {  	_ =	shalt  }
0x57: {  	_ =	shalt  }
0x58: {  	_ =	shalt  }
0x59: {  	_ =	shalt  }
0x5a: {  	_ =	shalt  }
0x5b: {  	_ =	shalt  }
0x5c: {  	_ =	shalt  }
0x5d: {  	_ =	shalt  }
0x5e: {  	_ =	shalt  }
0x5f: {  	_ =	shalt  }
0x60: {  	_ =	shalt  }
0x61: {  	_ =	shalt  }
0x62: {  	_ =	shalt  }
0x63: {  	_ =	shalt  }
0x64: {  	_ =	shalt  }
0x65: {  	_ =	shalt  }
0x66: {  	_ =	shalt  }
0x67: {  	_ =	shalt  }
0x68: {  	_ =	shalt  }
0x69: {  	_ =	shalt  }
0x6a: {  	_ =	shalt  }
0x6b: {  	_ =	shalt  }
0x6c: {  	_ =	shalt  }
0x6d: {  	_ =	shalt  }
0x6e: {  	_ =	shalt  }
0x6f: {  	_ =	shalt  }
0x70: {  	_ =	shalt  }
0x71: {  	_ =	shalt  }
0x72: {  	_ =	shalt  }
0x73: {  	_ =	shalt  }
0x74: {  	_ =	shalt  }
0x75: {  	_ =	shalt  }
0x76: {  	_ =	shalt  }
0x77: {  	_ =	shalt  }
0x78: {  	_ =	shalt  }
0x79: {  	_ =	shalt  }
0x7a: {  	_ =	shalt  }
0x7b: {  	_ =	shalt  }
0x7c: {  	_ =	shalt  }
0x7d: {  	_ =	shalt  }
0x7e: {  	_ =	shalt  }
0x7f: {  	_ =	shalt  }
0x80: {  	_ =	shalt  }
0x81: {  	_ =	shalt  }
0x82: {  	_ =	shalt  }
0x83: {  	_ =	shalt  }
0x84: {  	_ =	shalt  }
0x85: {  	_ =	shalt  }
0x86: {  	_ =	shalt  }
0x87: {  	_ =	shalt  }
.Lfunc_end0:
.L_simem_size_0:
called_computation_lowered:
.L_overlay_start_0:
0x88: {  	s2 =	sld [smem:$0x3FD9]  }
0x89: {  	s3 =	sld [smem:$0x3FFE];
	_ =	sdelay $0x1  }
0x8a: {  	s1 =	srdreg.scid  }
0x8b: {  	s0 =	sand.u32 $0x1, s1  }
0x8c: {  	s18 =	sshll.u32 s0, $0xA;
	s2 =	sadd.s32 s3, s2  }
0x8d: {  	s2 =	sadd.s32 s2, s18  }
0x8e: {  	[smem:$0x3FC6] =	sst s2  }
0x8f: {  	_ = 	snop  }
0x90: {  	s2 =	sld [smem:$0x3FC9]  }
0x91: {  	s19 =	sld [smem:$0x3FC8]  }
0x92: {  	s4 =	sld [smem:$0x3FD0];
	(tm) =	ssettm $0x1  }
0x93: {  	s5 =	sld [smem:$0x3FFB];
	_ =	sdelay $0x3  }
0x94: {  	_ =	strace s5  }
0x95: {  	s5 =	sld [smem:$0x3FFC];
	_ =	sdelay $0x3  }
0x96: {  	_ =	strace s5  }
0x97: {  	s5 =	sld [smem:$0x3FFD];
	_ =	sdelay $0x3  }
0x98: {  	_ =	strace s5  }
0x99: {  	_ =	strace $0x8FFFFFFF  }
0x9a: {  	s20 =	sld [smem:$0x3FDB];
	_ =	sdelay $0x1  }
0x9b: {  	s6 =	simm.s32 $_scs_section_size  }
0x9c: {  	s7 =	simm.s32 $_size__tile_overlayer_lowered;
	s8 =	simm.s32 $_tile_overlayer_lowered  }
0x9d: {  	s23 =	simm.s32 $0x1BFF;
	s22 =	sshll.u32 s8, $0x1;
	s5 =	sadd.s32 s6, s20  }
0x9e: {  	s9 =	simm.s32 $0x0;
	s21 =	sshll.u32 s7, $0x1;
	s7 =	sadd.s32 s22, s5  }
0x9f: {  	[timem:s9], [sflag:s23] =	dma.local [hbm:s7], s21  }
0xa0: {  	_ =	swait.ge [sflag:s23], s21  }
0xa1: {  	s6 =	ssub.s32 $0x0, s21;
	[sflag:s23] =	ssyncset.done $0x0  }
0xa2: {  	[sflag:s23] =	ssyncadd.s32 s6;
	_ =	sdelay $0x1  }
0xa3: {  	s24 =	simm.s32 $0x1B8B  }
0xa4: {  	_ =	swait.ge [sflag:s24], $0x1  }
0xa5: {  	[sflag:s24] =	ssyncset.done $0x0  }
0xa6: {  	s25 =	simm.s32 $0x1B8E;
	[sflag:s24] =	ssyncadd.s32 $0xFFFFFFFF  }
0xa7: {  	s26 =	simm.s32 $execute0_lowered;
	[smem:$0x3FD2] =	sst s25  }
0xa8: {  	s6 =	sshll.u32 s26, $0x1;
	_ =	strace $0x80000046;
	[dreg:$0x1] =	wrdreg $0xFFFFFFFF  }
0xa9: {  	s28 =	simm.s32 $_size_execute0_lowered;
	s5 =	sadd.s32 s5, s6;
	[dreg:$0x0] =	wrdreg $0x0  }
0xaa: {  	s6 =	sshll.u32 s28, $0x1;
	[dreg:$0x2] =	wrdreg s5  }
0xab: {  	[dreg:$0x3] =	wrdreg s6  }
0xac: {  	[dreg:$0x4] =	wrdreg $0xC0  }
0xad: {  	_ =	task [dreg:s9], $0x5FFFF  }
0xae: {  	[dreg:$0x1] =	wrdreg $0xFFFFFFFF  }
0xaf: {  	[dreg:$0x0] =	wrdreg $0x60  }
0xb0: {  	[dreg:$0x2] =	wrdreg s2  }
0xb1: {  	[dreg:$0x3] =	wrdreg s19  }
0xb2: {  	[dreg:$0x4] =	wrdreg s4  }
0xb3: {  	[dreg:$0x5] =	wrdreg $0x9  }
0xb4: {  	_ =	task.clear_ibuf [dreg:s9], $0x6FFFF;
	_ =	strace $0x90000046  }
0xb5: {  	s29 =	simm.s32 $0x9;
	_ =	strace $0x80000048  }
0xb6: {  	_ =	swait.ge [sflag:s29], $0x1  }
0xb7: {  	[sflag:s29] =	ssyncadd.s32 $0xFFFFFFFF  }
0xb8: {  	_ =	strace $0x90000048  }
0xb9: {  	_ =	sfence  }
0xba: {  	s30 =	sld [smem:$0x0];
	_ =	sdelay $0x2  }
0xbb: {  	s31 =	sshll.u32 s1, $0xD;
	s1 =	sshrl.u32 s1, $0x2  }
0xbc: {  	s3 =	sand.u32 $0x4000, s31;
	s1 =	sadd.s32 s1, s30  }
0xbd: {  	s0 =	sor.u32 s3, s0;
	s1 =	sshll.u32 s1, $0x11  }
0xbe: {  	s0 =	sor.u32 s1, s0  }
0xbf: {  	s0 =	sadd.s32 $0x8F2B, s0  }
0xc0: {  	[sflag:s0] =	ssyncadd.remote.s32 $0x1  }
0xc1: {  	_ =	sfence.sel $0xFFFF  }
0xc2: {  	[dreg:$0x0] =	wrdreg $0xFFFFFFFF;
	(pc) =	sbr.abs _section_cstart, $3  }
0xc3: {  	[dreg:$0x1] =	wrdreg $0xFFFFFFFF  }
0xc4: {  	_ =	task.clear_ibuf [dreg:s9], $0x2FFFF;
	_ =	strace $0x9FFFFFFF  }
0xc5: {  	(tm) =	ssettm $0x7FFFFFFF  }
tec
execute0_lowered:
.L_overlay_start_1:
0x0: {  	(tag) =	ssettag $0x1  }
0x1: {  	s0 =	rddreg [dreg:$0x0]  }
0x2: {  	s2 =	rddreg [dreg:$0x1]  }
0x3: {  	s1 =	rddreg [dreg:$0x2]  }
0x4: {  	s3 =	srdreg.scid;
	s8 =	stileid.u32  }
0x5: {  	s28 =	simm.s32 $0xDC00;
	s30 =	simm.s32 $0x11C00;
	s31 =	simm.s32 $0x1  }
0x6: {  	s29 =	simm.s32 $0x5;
	s4 =	sand.u32 $0x1, s3;
	s3 =	simm.s32 $0x0  }
0x7: {  	s5 =	sshll.u32 s8, $0x8;
	s15 =	sshll.u32 s8, $0xF;
	s6 =	sshll.u32 s4, $0x7  }
0x8: {  	[smem:$0x7FF] =	sst s3;
	s7 =	ssub.s32 $0x2, s4;
	s4 =	sshll.u32 s4, $0xE  }
0x9: {  	s5 =	sor.u32 s6, s5;
	_ =	strace $0x80000047;
	s12 =	sshrl.u32 s7, $0x1  }
0xa: {  	s4 =	sor.u32 s4, s15;
	s6 =	simm.s32 $0x0;
	s9 =	sadd.s32 s0, s5  }
0xb: {  	s13 =	ssub.s32 s7, s12;
	s5 =	sshll.u32 s5, $0x4;
	s20 =	sor.u32 $0x200000, s4  }
0xc: {  	s22 =	sor.u32 $0x180000, s4;
	s25 =	sor.u32 $0x100000, s4;
	s26 =	sor.u32 $0x80000, s4  }
0xd: {  	s4 =	sshrl.u32 s4, $0x3;
	[dreg:$0x4] =	wrdreg s9;
	s14 =	sadd.s32 $0x6000, s9  }
0xe: {  	s5 =	sadd.s32 s5, s1;
	s0 =	smax.u32 s13, $0x1;
	[dreg:$0x5] =	wrdreg s14  }
0xf: {  	s21 =	sshrl.u32 s20, $0x3;
	s16 =	sadd.s32 $0x2D0000, s5;
	[dreg:$0xb] =	wrdreg s0  }
0x10: {  	s24 =	sshrl.u32 s22, $0x3;
	s17 =	sadd.s32 $0x2E0000, s5;
	[dreg:$0x6] =	wrdreg s16  }
0x11: {  	s22 =	simm.s32 $0x1C00;
	s18 =	sadd.s32 $0x2F0000, s5;
	[dreg:$0x7] =	wrdreg s17  }
0x12: {  	s19 =	sadd.s32 $0x300000, s5;
	s5 =	sadd.s32 $0x310000, s5;
	[dreg:$0x8] =	wrdreg s18  }
0x13: {  	s23 =	sadd.s32 s21, s1;
	s13 =	sadd.s32 s24, s1;
	[dreg:$0x9] =	wrdreg s19  }
0x14: {  	s0 =	sshrl.u32 s25, $0x3;
	s21 =	simm.s32 $0x80;
	[dreg:$0xa] =	wrdreg s5  }
0x15: {  	s25 =	simm.s32 $0x9C00;
	s24 =	simm.s32 $0x4;
	[dreg:$0xc] =	wrdreg s23  }
0x16: {  	s5 =	sshrl.u32 s26, $0x3;
	s14 =	sadd.s32 s0, s1;
	s16 =	sadd.s32 s4, s1  }
0x17: {  	s23 =	simm.s32 $0x5C00;
	s0 =	simm.s32 $0x6;
	s17 =	simm.s32 $0x7  }
0x18: {  	s18 =	simm.s32 $0x3;
	s19 =	simm.s32 $0x8;
	s26 =	simm.s32 $0x9  }
0x19: {  	s15 =	sadd.s32 s5, s1;
	s1 =	simm.s32 $0x2;
	s5 =	simm.s32 $0xA  }
.LBB2_1:
0x1a: {  	s4 =	rddreg [dreg:$0x4];
	s7 =	simm.s32 $0x400;
	s8 =	simm.s32 $0x8000  }
0x1b: {  	[tilespmem:s3], [sflag:$0xB] =	stream.strided.gather [hbm4b:s4+s7], $0x1800, s8, s7, $0x38;
	[tilespmem:$0x15C00] =	vst v63  }
0x1c: {  	s11 =	rddreg [dreg:$0x5];
	s12 =	simm.s32 $0x1800;
	s20 =	simm.s32 $0xB  }
0x1d: {  	[tilespmem:s12], [sflag:$0xB] =	stream.linear.gather [hbm4b:s11+s3], $0x100, $0x38;
	[tilespmem:$0x15C00] =	vst v63  }
0x1e: {  	_ =	swait.ge [sflag:s20], $0x1900  }
0x1f: {  	[sflag:s20] =	ssyncset.done $0x0  }
0x20: {  	[sflag:s20] =	ssyncadd.s32 $0xFFFFE700  }
0x21: {  	[tilespmem:s22], [sflag:$0x1] =	stream.indirect.gather [hbm4b:s2+s21], $0x80, s3, s21, $0xb8;
	[tilespmem:$0x15C00] =	vst v63  }
0x22: {  	_ = 	snop  }
0x23: {  	[tilespmem:s23], [sflag:$0x2] =	stream.indirect.gather [hbm4b:s2+s21], $0x80, s21, s21, $0xb8;
	[tilespmem:$0x15C00] =	vst v63  }
0x24: {  	s7 =	simm.s32 $0x100  }
0x25: {  	[tilespmem:s25], [sflag:$0x3] =	stream.indirect.gather [hbm4b:s2+s21], $0x80, s7, s21, $0xb8;
	[tilespmem:$0x15C00] =	vst v63  }
0x26: {  	s8 =	simm.s32 $0x180  }
0x27: {  	[tilespmem:s28], [sflag:$0x4] =	stream.indirect.gather [hbm4b:s2+s21], $0x80, s8, s21, $0xb8;
	[tilespmem:$0x15C00] =	vst v63  }
0x28: {  	s9 =	simm.s32 $0x200  }
0x29: {  	[tilespmem:s30], [sflag:$0x5] =	stream.indirect.gather [hbm4b:s2+s21], $0x80, s9, s21, $0xb8;
	[tilespmem:$0x15C00] =	vst v63  }
0x2a: {  	_ =	swait.ge [sflag:s31], $0x4000  }
0x2b: {  	[sflag:s31] =	ssyncset.done $0x0  }
0x2c: {  	[sflag:s31] =	ssyncadd.s32 $0xFFFFC000  }
0x2d: {  	[hbm4b:s16+s3] =	stream.linear.scatter [tilespmem:s22], [sflag:$0x6], $0x4000, $0x38;
	[tilespmem:$0x15C00] =	vst v63  }
0x2e: {  	_ =	swait.ge [sflag:s0], $0x4000  }
0x2f: {  	[sflag:s0] =	ssyncset.done $0x0  }
0x30: {  	s10 =	simm.s32 $0x280;
	[sflag:s0] =	ssyncadd.s32 $0xFFFFC000  }
0x31: {  	[tilespmem:s22], [sflag:$0x1] =	stream.indirect.gather [hbm4b:s2+s21], $0x80, s10, s21, $0xb8;
	[tilespmem:$0x15C00] =	vst v63  }
0x32: {  	_ =	swait.ge [sflag:s1], $0x4000  }
0x33: {  	[sflag:s1] =	ssyncset.done $0x0  }
0x34: {  	[sflag:s1] =	ssyncadd.s32 $0xFFFFC000  }
0x35: {  	[hbm4b:s15+s3] =	stream.linear.scatter [tilespmem:s23], [sflag:$0x7], $0x4000, $0x38;
	[tilespmem:$0x15C00] =	vst v63  }
0x36: {  	_ =	swait.ge [sflag:s17], $0x4000  }
0x37: {  	[sflag:s17] =	ssyncset.done $0x0  }
0x38: {  	s11 =	simm.s32 $0x300;
	[sflag:s17] =	ssyncadd.s32 $0xFFFFC000  }
0x39: {  	[tilespmem:s23], [sflag:$0x2] =	stream.indirect.gather [hbm4b:s2+s21], $0x80, s11, s21, $0xb8;
	[tilespmem:$0x15C00] =	vst v63  }
0x3a: {  	_ =	swait.ge [sflag:s18], $0x4000  }
0x3b: {  	[sflag:s18] =	ssyncset.done $0x0  }
0x3c: {  	[sflag:s18] =	ssyncadd.s32 $0xFFFFC000  }
0x3d: {  	[hbm4b:s14+s3] =	stream.linear.scatter [tilespmem:s25], [sflag:$0x8], $0x4000, $0x38;
	[tilespmem:$0x15C00] =	vst v63  }
0x3e: {  	_ =	swait.ge [sflag:s19], $0x4000  }
0x3f: {  	[sflag:s19] =	ssyncset.done $0x0  }
0x40: {  	s12 =	simm.s32 $0x380;
	[sflag:s19] =	ssyncadd.s32 $0xFFFFC000  }
0x41: {  	[tilespmem:s25], [sflag:$0x3] =	stream.indirect.gather [hbm4b:s2+s21], $0x80, s12, s21, $0xb8;
	[tilespmem:$0x15C00] =	vst v63  }
0x42: {  	_ =	swait.ge [sflag:s24], $0x4000  }
0x43: {  	[sflag:s24] =	ssyncset.done $0x0  }
0x44: {  	[sflag:s24] =	ssyncadd.s32 $0xFFFFC000  }
0x45: {  	[hbm4b:s13+s3] =	stream.linear.scatter [tilespmem:s28], [sflag:$0x9], $0x4000, $0x38;
	[tilespmem:$0x15C00] =	vst v63  }
0x46: {  	_ =	swait.ge [sflag:s26], $0x4000  }
0x47: {  	[sflag:s26] =	ssyncset.done $0x0  }
0x48: {  	s20 =	simm.s32 $0x400;
	[sflag:s26] =	ssyncadd.s32 $0xFFFFC000  }
0x49: {  	[tilespmem:s28], [sflag:$0x4] =	stream.indirect.gather [hbm4b:s2+s21], $0x80, s20, s21, $0xb8;
	[tilespmem:$0x15C00] =	vst v63  }
0x4a: {  	_ =	swait.ge [sflag:s29], $0x4000  }
0x4b: {  	[sflag:s29] =	ssyncset.done $0x0  }
0x4c: {  	s4 =	sadd.s32 $0x50000, s15;
	s11 =	rddreg [dreg:$0xc];
	[sflag:s29] =	ssyncadd.s32 $0xFFFFC000  }
0x4d: {  	[hbm4b:s11+s3] =	stream.linear.scatter [tilespmem:s30], [sflag:$0xA], $0x4000, $0x38;
	[tilespmem:$0x15C00] =	vst v63  }
0x4e: {  	s7 =	simm.s32 $0xA00;
	s8 =	sadd.s32 $0x50000, s16;
	_ =	swait.ge [sflag:s5], $0x4000  }
0x4f: {  	s9 =	sadd.s32 $0x50000, s13;
	s10 =	sadd.s32 $0x50000, s14;
	[sflag:s5] =	ssyncset.done $0x0  }
0x50: {  	s20 =	simm.s32 $0x480;
	s11 =	sadd.s32 $0x50000, s11;
	[sflag:s5] =	ssyncadd.s32 $0xFFFFC000  }
.LBB2_2:
0x51: {  	[tilespmem:s30], [sflag:$0x5] =	stream.indirect.gather [hbm4b:s2+s21], $0x80, s20, s21, $0xb8;
	[tilespmem:$0x15C00] =	vst v63  }
0x52: {  	s20 =	smov.u32 s7  }
0x53: {  	p0 =	sne.s32 s7, $0x5000;
	s7 =	sadd.s32 $0xA00, s7;
	_ =	swait.ge [sflag:s31], $0x4000  }
0x54: {  	[sflag:s31] =	ssyncset.done $0x0  }
0x55: {  	[sflag:s31] =	ssyncadd.s32 $0xFFFFC000  }
0x56: {  	[hbm4b:s8+s3] =	stream.linear.scatter [tilespmem:s22], [sflag:$0x6], $0x4000, $0x38;
	[tilespmem:$0x15C00] =	vst v63  }
0x57: {  	_ =	swait.ge [sflag:s0], $0x4000  }
0x58: {  	s20 =	sshra.s32 s20, $0x2;
	[sflag:s0] =	ssyncset.done $0x0  }
0x59: {  	s12 =	sadd.s32 $0x280, s20;
	[sflag:s0] =	ssyncadd.s32 $0xFFFFC000  }
0x5a: {  	[tilespmem:s22], [sflag:$0x1] =	stream.indirect.gather [hbm4b:s2+s21], $0x80, s12, s21, $0xb8;
	[tilespmem:$0x15C00] =	vst v63  }
0x5b: {  	_ =	swait.ge [sflag:s1], $0x4000  }
0x5c: {  	[sflag:s1] =	ssyncset.done $0x0  }
0x5d: {  	[sflag:s1] =	ssyncadd.s32 $0xFFFFC000  }
0x5e: {  	[hbm4b:s4+s3] =	stream.linear.scatter [tilespmem:s23], [sflag:$0x7], $0x4000, $0x38;
	[tilespmem:$0x15C00] =	vst v63  }
0x5f: {  	_ =	swait.ge [sflag:s17], $0x4000  }
0x60: {  	[sflag:s17] =	ssyncset.done $0x0  }
0x61: {  	s12 =	sadd.s32 $0x300, s20;
	[sflag:s17] =	ssyncadd.s32 $0xFFFFC000  }
0x62: {  	[tilespmem:s23], [sflag:$0x2] =	stream.indirect.gather [hbm4b:s2+s21], $0x80, s12, s21, $0xb8;
	[tilespmem:$0x15C00] =	vst v63  }
0x63: {  	_ =	swait.ge [sflag:s18], $0x4000  }
0x64: {  	[sflag:s18] =	ssyncset.done $0x0  }
0x65: {  	[sflag:s18] =	ssyncadd.s32 $0xFFFFC000  }
0x66: {  	[hbm4b:s10+s3] =	stream.linear.scatter [tilespmem:s25], [sflag:$0x8], $0x4000, $0x38;
	[tilespmem:$0x15C00] =	vst v63  }
0x67: {  	_ =	swait.ge [sflag:s19], $0x4000  }
0x68: {  	[sflag:s19] =	ssyncset.done $0x0  }
0x69: {  	s12 =	sadd.s32 $0x380, s20;
	[sflag:s19] =	ssyncadd.s32 $0xFFFFC000  }
0x6a: {  	[tilespmem:s25], [sflag:$0x3] =	stream.indirect.gather [hbm4b:s2+s21], $0x80, s12, s21, $0xb8;
	[tilespmem:$0x15C00] =	vst v63  }
0x6b: {  	_ =	swait.ge [sflag:s24], $0x4000  }
0x6c: {  	[sflag:s24] =	ssyncset.done $0x0  }
0x6d: {  	[sflag:s24] =	ssyncadd.s32 $0xFFFFC000  }
0x6e: {  	[hbm4b:s9+s3] =	stream.linear.scatter [tilespmem:s28], [sflag:$0x9], $0x4000, $0x38;
	[tilespmem:$0x15C00] =	vst v63  }
0x6f: {  	_ =	swait.ge [sflag:s26], $0x4000  }
0x70: {  	[sflag:s26] =	ssyncset.done $0x0  }
0x71: {  	s12 =	sadd.s32 $0x400, s20;
	[sflag:s26] =	ssyncadd.s32 $0xFFFFC000  }
0x72: {  	[tilespmem:s28], [sflag:$0x4] =	stream.indirect.gather [hbm4b:s2+s21], $0x80, s12, s21, $0xb8;
	[tilespmem:$0x15C00] =	vst v63  }
0x73: {  	_ =	swait.ge [sflag:s29], $0x4000  }
0x74: {  	[sflag:s29] =	ssyncset.done $0x0  }
.Ltmp0:
0x75: {  	[sflag:s29] =	ssyncadd.s32 $0xFFFFC000;
	(pc) =	sbr.rel @p0 .LBB2_2-.Ltmp0, $4  }
0x76: {  	[hbm4b:s11+s3] =	stream.linear.scatter [tilespmem:s30], [sflag:$0xA], $0x4000, $0x38;
	[tilespmem:$0x15C00] =	vst v63  }
0x77: {  	s8 =	sadd.s32 $0x50000, s8;
	s4 =	sadd.s32 $0x50000, s4;
	_ =	swait.ge [sflag:s5], $0x4000  }
0x78: {  	s10 =	sadd.s32 $0x50000, s10;
	s9 =	sadd.s32 $0x50000, s9;
	[sflag:s5] =	ssyncset.done $0x0  }
0x79: {  	s20 =	sadd.s32 $0x480, s20;
	s11 =	sadd.s32 $0x50000, s11;
	[sflag:s5] =	ssyncadd.s32 $0xFFFFC000  }
0x7a: {  	[tilespmem:s30], [sflag:$0x5] =	stream.indirect.gather [hbm4b:s2+s21], $0x80, s20, s21, $0xb8;
	[tilespmem:$0x15C00] =	vst v63  }
0x7b: {  	_ =	swait.ge [sflag:s31], $0x4000  }
0x7c: {  	[sflag:s31] =	ssyncset.done $0x0  }
0x7d: {  	s4 =	rddreg [dreg:$0x6];
	[sflag:s31] =	ssyncadd.s32 $0xFFFFC000  }
0x7e: {  	[hbm4b:s4+s3] =	stream.linear.scatter [tilespmem:s22], [sflag:$0x6], $0x4000, $0x38;
	[tilespmem:$0x15C00] =	vst v63  }
0x7f: {  	_ =	swait.ge [sflag:s1], $0x4000  }
0x80: {  	[sflag:s1] =	ssyncset.done $0x0  }
0x81: {  	s9 =	rddreg [dreg:$0x7];
	[sflag:s1] =	ssyncadd.s32 $0xFFFFC000  }
0x82: {  	[hbm4b:s9+s3] =	stream.linear.scatter [tilespmem:s23], [sflag:$0x7], $0x4000, $0x38;
	[tilespmem:$0x15C00] =	vst v63  }
0x83: {  	_ =	swait.ge [sflag:s18], $0x4000  }
0x84: {  	[sflag:s18] =	ssyncset.done $0x0  }
0x85: {  	s10 =	rddreg [dreg:$0x8];
	[sflag:s18] =	ssyncadd.s32 $0xFFFFC000  }
0x86: {  	[hbm4b:s10+s3] =	stream.linear.scatter [tilespmem:s25], [sflag:$0x8], $0x4000, $0x38;
	[tilespmem:$0x15C00] =	vst v63  }
0x87: {  	_ =	swait.ge [sflag:s24], $0x4000  }
0x88: {  	[sflag:s24] =	ssyncset.done $0x0  }
0x89: {  	s11 =	rddreg [dreg:$0x9];
	[sflag:s24] =	ssyncadd.s32 $0xFFFFC000  }
0x8a: {  	[hbm4b:s11+s3] =	stream.linear.scatter [tilespmem:s28], [sflag:$0x9], $0x4000, $0x38;
	[tilespmem:$0x15C00] =	vst v63  }
0x8b: {  	_ =	swait.ge [sflag:s29], $0x4000  }
0x8c: {  	[sflag:s29] =	ssyncset.done $0x0  }
0x8d: {  	s12 =	rddreg [dreg:$0xa];
	[sflag:s29] =	ssyncadd.s32 $0xFFFFC000  }
0x8e: {  	[hbm4b:s12+s3] =	stream.linear.scatter [tilespmem:s30], [sflag:$0xA], $0x4000, $0x38;
	[tilespmem:$0x15C00] =	vst v63  }
0x8f: {  	_ =	swait.ge [sflag:s0], $0x4000  }
0x90: {  	[sflag:s0] =	ssyncset.done $0x0  }
0x91: {  	[sflag:s0] =	ssyncadd.s32 $0xFFFFC000  }
0x92: {  	_ =	swait.ge [sflag:s17], $0x4000  }
0x93: {  	[sflag:s17] =	ssyncset.done $0x0  }
0x94: {  	[sflag:s17] =	ssyncadd.s32 $0xFFFFC000  }
0x95: {  	_ =	swait.ge [sflag:s19], $0x4000  }
0x96: {  	[sflag:s19] =	ssyncset.done $0x0  }
0x97: {  	[sflag:s19] =	ssyncadd.s32 $0xFFFFC000  }
0x98: {  	_ =	swait.ge [sflag:s26], $0x4000  }
0x99: {  	[sflag:s26] =	ssyncset.done $0x0  }
0x9a: {  	[sflag:s26] =	ssyncadd.s32 $0xFFFFC000  }
0x9b: {  	_ =	swait.ge [sflag:s5], $0x4000  }
0x9c: {  	s6 =	sadd.s32 $0x1, s6;
	s20 =	rddreg [dreg:$0xb]  }
0x9d: {  	p0 =	sne.s32 s6, s20  }
.Ltmp1:
0x9e: {  	_ = 	snop;
	(pc) =	sbr.rel @p0 .LBB2_1-.Ltmp1, $3  }
0x9f: {  	_ =	sdelay $0x1  }
0xa0: {  	[sflag:s5] =	ssyncset.done $0x0  }
0xa1: {  	[sflag:s5] =	ssyncadd.s32 $0xFFFFC000  }
0xa2: {  	_ =	sfence.sel $0x180000  }
0xa3: {  	[bflag:$0x0] =	sbarrier.arrive $0xFFFF  }
0xa4: {  	_ =	strace $0x90000047  }
0xa5: {  	s0 =	stileid.u32;
	[bflag:$0x2] =	sbarrier.arrive $0xFFFF  }
0xa6: {  	p0 =	sne.s32 s0, $0x0;
	s0 =	rddreg [dreg:$0x3]  }
0xa7: {  	s0 =	sadd.s32 @!p0 $0x100000, s0  }
0xa8: {  	[sflag:s0] =	ssyncadd.tile.s32 @!p0 $0x1;
	_ =	shalt  }
.Lfunc_end2:
_tile_overlayer_lowered:
.L_overlay_start_2:
0xa9: {  	(tag) =	ssettag $0x2  }
0xaa: {  	s0 =	rddreg [dreg:$0x0];
	s2 =	stileid.u32  }
0xab: {  	s1 =	rddreg [dreg:$0x1];
	p0 =	sne.s32 s2, $0x0  }
0xac: {  	s3 =	rddreg [dreg:$0x2];
	[bflag:$0x3] =	sbarrier.arrive $0xFFFF;
	s2 =	simm.s32 @!p0 $0x1C0B  }
0xad: {  	[timem:s3], [sflag:s2] =	dma.local @!p0 [hbm:s0], s1  }
0xae: {  	s0 =	simm.s32 @!p0 $0xB  }
0xaf: {  	_ =	swait.ge @!p0 [sflag:s0], s1  }
0xb0: {  	s1 =	ssub.s32 @!p0 $0x0, s1;
	[sflag:s0] =	ssyncset.done @!p0 $0x0  }
0xb1: {  	[sflag:s0] =	ssyncadd.s32 @!p0 s1  }
0xb2: {  	[bflag:$0x3] =	sbarrier.arrive $0xFFFF  }
0xb3: {  	_ =	shalt  }

</sc_bundles>
